<compile_context>
chip_gen: v7x
topology: tpu7x:2x2x1
jax: 0.10.2.dev20260603
libtpu: 0.0.44.dev20260713+nightly
codegen_flags: <defaults>
</compile_context>

<pallas_src>
import functools

import jax
import jax.numpy as jnp
from jax import lax
from jax.experimental import pallas as pl
from jax.experimental.pallas import tpu as pltpu
from jax.experimental.pallas import tpu_sc as plsc

N = 10000
D = 128
NPAD = 10240
E = 320000
NW = 32
EW = 10240
EWR = E // NW
PAD_W = EW - EWR
EP = NW * EW
C = 64
CH = EW // C
NBUF = 2
RPT = NPAD // 16


def _sc_aggregate(x, src, dst):

    @functools.partial(
        pl.kernel,
        out_type=[
            jax.ShapeDtypeStruct((2, NPAD, D), jnp.float32),
            jax.ShapeDtypeStruct((NW, NPAD), jnp.float32),
        ],
        mesh=plsc.VectorSubcoreMesh(core_axis_name="c", subcore_axis_name="s"),
        compiler_params=pltpu.CompilerParams(needs_layout_passes=False),
        scratch_types=[
            pltpu.VMEM_SHARED((NPAD, D), jnp.float32),
            pltpu.VMEM((EW,), jnp.int32),
            pltpu.VMEM((EW,), jnp.int32),
            pltpu.VMEM((NBUF, C, D), jnp.float32),
            pltpu.VMEM((NPAD,), jnp.float32),
            pltpu.SemaphoreType.DMA((NBUF,)),
            pltpu.SemaphoreType.DMA((NBUF,)),
        ],
    )
    def k(x_hbm, src_hbm, dst_hbm, part_hbm, cnt_hbm,
          acc_sh, sidx_v, didx_v, rows, cnt_v, gsem, ssem):
        cid = lax.axis_index("c")
        sid = lax.axis_index("s")
        wid = cid * 16 + sid
        zeros16 = jnp.zeros((16,), jnp.float32)
        ones16 = jnp.ones((16,), jnp.float32)

        with jax.named_scope("zero_stage"):
            pltpu.sync_copy(src_hbm.at[pl.ds(wid * EWR, EWR)],
                            sidx_v.at[pl.ds(0, EWR)])
            pltpu.sync_copy(dst_hbm.at[pl.ds(wid * EWR, EWR)],
                            didx_v.at[pl.ds(0, EWR)])

            def padfill(j, carry):
                base = jnp.full((16,), j * 16, jnp.int32) + lax.iota(jnp.int32, 16)
                sidx_v[pl.ds(EWR + j * 16, 16)] = base
                didx_v[pl.ds(EWR + j * 16, 16)] = base + N
                return carry

            lax.fori_loop(0, PAD_W // 16, padfill, 0)

            def zcnt(j, carry):
                cnt_v[pl.ds(j * 16, 16)] = zeros16
                return carry

            lax.fori_loop(0, NPAD // 16, zcnt, 0)

            def zrow(r, carry):
                for i in range(D // 16):
                    rows[0, r, pl.ds(i * 16, 16)] = zeros16
                return carry

            lax.fori_loop(0, C, zrow, 0)
            for kk in range(RPT // C):
                pltpu.sync_copy(rows.at[0],
                                acc_sh.at[pl.ds(sid * RPT + kk * C, C)])
            plsc.subcore_barrier()

        for b in range(NBUF):
            pltpu.async_copy(x_hbm.at[sidx_v.at[pl.ds(b * C, C)]],
                             rows.at[b], gsem.at[b])

        def outer(o, carry):
            for b in range(NBUF):
                g = o * NBUF + b
                pltpu.make_async_copy(
                    x_hbm.at[sidx_v.at[pl.ds(g * C, C)]],
                    rows.at[b], gsem.at[b]).wait()
                sc_d = pltpu.async_copy(
                    rows.at[b], acc_sh.at[didx_v.at[pl.ds(g * C, C)]],
                    ssem.at[b], add=True)
                for t in range(C // 16):
                    dv = didx_v[pl.ds(g * C + t * 16, 16)]
                    plsc.addupdate_scatter(cnt_v, [dv], ones16)
                sc_d.wait()

                @pl.when(g < CH - NBUF)
                def _():
                    pltpu.async_copy(
                        x_hbm.at[sidx_v.at[pl.ds((g + NBUF) * C, C)]],
                        rows.at[b], gsem.at[b])
            return carry

        with jax.named_scope("main_loop"):
            lax.fori_loop(0, CH // NBUF, outer, 0)
            plsc.subcore_barrier()

        with jax.named_scope("writeout"):
            for kk in range(RPT // C):
                r0 = sid * RPT + kk * C
                pltpu.sync_copy(acc_sh.at[pl.ds(r0, C)],
                                part_hbm.at[cid, pl.ds(r0, C)])
            pltpu.sync_copy(cnt_v, cnt_hbm.at[wid])

    return k(x, src, dst)


def _tc_xr(xp, w1rT, b1r):

    def body(x_ref, wr_ref, b1_ref, xr_ref):
        xr_ref[...] = (
            jnp.dot(x_ref[...], wr_ref[...], preferred_element_type=jnp.float32)
            + b1_ref[...])

    B = 512
    return pl.pallas_call(
        body,
        grid=(NPAD // B,),
        in_specs=[
            pl.BlockSpec((B, D), lambda i: (i, 0)),
            pl.BlockSpec((D, D), lambda i: (0, 0)),
            pl.BlockSpec((1, D), lambda i: (0, 0)),
        ],
        out_specs=pl.BlockSpec((B, D), lambda i: (i, 0)),
        out_shape=jax.ShapeDtypeStruct((NPAD, D), jnp.float32),
    )(xp, w1rT, b1r)


def _tc_layer(part, cntp, xr, w1lT, w2):

    def body(part_ref, cnt_ref, xr_ref, wl_ref, w2_ref,
             p_ref, q_ref, cntc_ref):
        s = part_ref[0] + part_ref[1]
        cntc = jnp.maximum(jnp.sum(cnt_ref[...], axis=0), 1.0)
        aggr = s / cntc[:, None]
        h = jnp.maximum(
            jnp.dot(aggr, wl_ref[...], preferred_element_type=jnp.float32)
            + xr_ref[...],
            0.0)
        pq = jnp.dot(h, w2_ref[...], preferred_element_type=jnp.float32)
        p_ref[...] = pq[:, 0:1]
        q_ref[...] = pq[:, 1:2]
        cntc_ref[...] = cntc

    B = 512
    grid = NPAD // B
    return pl.pallas_call(
        body,
        grid=(grid,),
        in_specs=[
            pl.BlockSpec((2, B, D), lambda i: (0, i, 0)),
            pl.BlockSpec((NW, B), lambda i: (0, i)),
            pl.BlockSpec((B, D), lambda i: (i, 0)),
            pl.BlockSpec((D, D), lambda i: (0, 0)),
            pl.BlockSpec((D, 2), lambda i: (0, 0)),
        ],
        out_specs=[
            pl.BlockSpec((B, 1), lambda i: (i, 0)),
            pl.BlockSpec((B, 1), lambda i: (i, 0)),
            pl.BlockSpec((B,), lambda i: (i,)),
        ],
        out_shape=[
            jax.ShapeDtypeStruct((NPAD, 1), jnp.float32),
            jax.ShapeDtypeStruct((NPAD, 1), jnp.float32),
            jax.ShapeDtypeStruct((NPAD,), jnp.float32),
        ],
    )(part, cntp, xr, w1lT, w2)


def _sc_scalar_aggregate(p, srcw, dstw):

    @functools.partial(
        pl.kernel,
        out_type=jax.ShapeDtypeStruct((NW, NPAD), jnp.float32),
        mesh=plsc.VectorSubcoreMesh(core_axis_name="c", subcore_axis_name="s"),
        compiler_params=pltpu.CompilerParams(needs_layout_passes=False),
        scratch_types=[
            pltpu.VMEM((NPAD,), jnp.float32),
            pltpu.VMEM((NPAD,), jnp.float32),
            pltpu.VMEM((EW,), jnp.int32),
            pltpu.VMEM((EW,), jnp.int32),
        ],
    )
    def k(p_hbm, src_hbm, dst_hbm, out_hbm, p_v, acc_v, sidx_v, didx_v):
        cid = lax.axis_index("c")
        sid = lax.axis_index("s")
        wid = cid * 16 + sid
        pltpu.sync_copy(p_hbm, p_v)
        pltpu.sync_copy(src_hbm.at[pl.ds(wid * EWR, EWR)],
                        sidx_v.at[pl.ds(0, EWR)])
        pltpu.sync_copy(dst_hbm.at[pl.ds(wid * EWR, EWR)],
                        didx_v.at[pl.ds(0, EWR)])
        zeros16 = jnp.zeros((16,), jnp.float32)

        def padfill(j, carry):
            base = jnp.full((16,), j * 16, jnp.int32) + lax.iota(jnp.int32, 16)
            sidx_v[pl.ds(EWR + j * 16, 16)] = base
            didx_v[pl.ds(EWR + j * 16, 16)] = base + N
            return carry

        lax.fori_loop(0, PAD_W // 16, padfill, 0)

        def zacc(j, carry):
            acc_v[pl.ds(j * 16, 16)] = zeros16
            return carry

        lax.fori_loop(0, NPAD // 16, zacc, 0)

        def step(j, carry):
            si = sidx_v[pl.ds(j * 16, 16)]
            dv = didx_v[pl.ds(j * 16, 16)]
            vals = plsc.load_gather(p_v, [si])
            plsc.addupdate_scatter(acc_v, [dv], vals)
            return carry

        lax.fori_loop(0, EW // 16, step, 0)
        pltpu.sync_copy(acc_v, out_hbm.at[wid])

    return k(p, srcw, dstw)


def _tc_final(pacc_r, cntc_r, q_r, noise_r, scal):

    def body(sc_ref, pacc_ref, cntc_ref, q_ref, noise_ref, out_ref):
        a = jnp.sum(pacc_ref[...], axis=0)
        h2 = a / cntc_ref[...] + sc_ref[0] + q_ref[...]
        out_ref[...] = (h2 * sc_ref[1] + sc_ref[2]
                        + noise_ref[...] * jnp.exp(h2 * sc_ref[3] + sc_ref[4]))

    R = NPAD // 128
    return pl.pallas_call(
        body,
        in_specs=[
            pl.BlockSpec(memory_space=pltpu.SMEM),
            pl.BlockSpec((NW, R, 128), lambda: (0, 0, 0)),
            pl.BlockSpec((R, 128), lambda: (0, 0)),
            pl.BlockSpec((R, 128), lambda: (0, 0)),
            pl.BlockSpec((R, 128), lambda: (0, 0)),
        ],
        out_specs=pl.BlockSpec((R, 128), lambda: (0, 0)),
        out_shape=jax.ShapeDtypeStruct((R, 128), jnp.float32),
    )(scal, pacc_r, cntc_r, q_r, noise_r)


def kernel(x, edge_index, W1l, b1, W1r, W2l, b2, W2r, Wal, ba, War, wm, bm, wv, bv):
    src = edge_index[0].astype(jnp.int32)
    dst = edge_index[1].astype(jnp.int32)

    part, cntp = _sc_aggregate(x, src, dst)

    xp = jnp.pad(x, ((0, NPAD - N), (0, 0)))
    w2 = jnp.stack([W2l[0], W2r[0]], axis=1)
    xr = _tc_xr(xp, W1r.T, b1.reshape(1, D))
    p2, q2, cntc = _tc_layer(part, cntp, xr, W1l.T, w2)

    pacc = _sc_scalar_aggregate(p2.reshape(NPAD), src, dst)

    R = NPAD // 128
    noise = jax.random.normal(jax.random.key(42), (N, 1), jnp.float32)
    noise_r = jnp.pad(noise[:, 0], (0, NPAD - N)).reshape(R, 128)
    q_r = q2.reshape(R, 128)
    cntc_r = cntc.reshape(R, 128)
    pacc_r = pacc.reshape(NW, R, 128)
    scal = jnp.concatenate([b2, wm.ravel(), bm, wv.ravel(), bv])

    out_r = _tc_final(pacc_r, cntc_r, q_r, noise_r, scal)
    return out_r.reshape(NPAD)[:N][:, None]

# --- scband reference (transcript-rebuilt; emitter-appended) ---
"""Pipeline reference for scband-asgnn-1614907703644 (READ-ONLY COPY).

The authoritative reference and input builder live on the scoring server;
editing this copy changes nothing except your own understanding.
"""

import jax, jax.numpy as jnp
import numpy as np

N = 10000
E = 320000
D = 128
H = 128


def sage_conv(x, edge_index, Wl, bl, Wr):
    # PyG SAGEConv with mean aggregation:
    # out = lin_l(mean_{j in N(i)} x_j) + lin_r(x_i)
    src = edge_index[0]
    dst = edge_index[1]
    msgs = jnp.take(x, src, axis=0)
    summed = jax.ops.segment_sum(msgs, dst, num_segments=x.shape[0])
    cnt = jax.ops.segment_sum(jnp.ones((edge_index.shape[1],), x.dtype), dst, num_segments=x.shape[0])
    aggr = summed / jnp.clip(cnt, 1.0)[:, None]
    return aggr @ Wl.T + bl + x @ Wr.T


def setup_inputs(seed: int = 0):
    key = jax.random.key(seed)
    ks = jax.random.split(key, 16)
    x = jax.random.normal(ks[0], (N, D), jnp.float32)
    edge_index = jax.random.randint(ks[1], (2, E), 0, N).astype(jnp.int64)
    s1 = 1.0 / np.sqrt(D)
    s2 = 1.0 / np.sqrt(H)
    inp = {
        'x': x,
        'edge_index': edge_index,
        'W1l': jax.random.normal(ks[2], (H, D), jnp.float32) * s1,
        'b1': jnp.zeros((H,), jnp.float32),
        'W1r': jax.random.normal(ks[3], (H, D), jnp.float32) * s1,
        'W2l': jax.random.normal(ks[4], (1, H), jnp.float32) * s2,
        'b2': jnp.zeros((1,), jnp.float32),
        'W2r': jax.random.normal(ks[5], (1, H), jnp.float32) * s2,
        'Wal': jax.random.normal(ks[6], (1, 1), jnp.float32),
        'ba': jnp.zeros((1,), jnp.float32),
        'War': jax.random.normal(ks[7], (1, 1), jnp.float32),
        'wm': jax.random.normal(ks[8], (1, 1), jnp.float32),
        'bm': jnp.zeros((1,), jnp.float32),
        'wv': jax.random.normal(ks[9], (1, 1), jnp.float32) * 0.1,
        'bv': jnp.zeros((1,), jnp.float32),
    }
    return inp


def reference(x, edge_index, W1l, b1, W1r, W2l, b2, W2r, Wal, ba, War, wm, bm, wv, bv):
    h = jax.nn.relu(sage_conv(x, edge_index, W1l, b1, W1r))
    h = sage_conv(h, edge_index, W2l, b2, W2r)  # [N, 1]
    att = sage_conv(h, edge_index, Wal, ba, War)  # [N, 1]
    att = att / h.shape[1]
    att = jax.nn.softmax(att, axis=1)  # width-1 softmax -> ones, faithful to F.softmax default dim on 2D
    h = h * att
    m = h.mean(axis=1, keepdims=True)  # [N, 1]
    mu = m @ wm.T + bm
    logvar = m @ wv.T + bv
    std = jnp.exp(logvar)
    noise = jax.random.normal(jax.random.key(42), std.shape, std.dtype)
    return mu + noise * std

if __name__ == "__main__":
    import jax
    _d = setup_inputs()
    print(jax.jit(kernel)(*tuple(_d.values())))

</pallas_src>

<mosaic_0001>
#map = affine_map<(d0, d1) -> (0)>
#map1 = affine_map<(d0, d1) -> (0, 0)>
module attributes {stable_mosaic.version = 14 : i64} {
  func.func @k(%arg0: i32, %arg1: i32, %arg2: memref<10240xf32, #tpu.memory_space<hbm>>, %arg3: memref<320000xi32, #tpu.memory_space<hbm>>, %arg4: memref<320000xi32, #tpu.memory_space<hbm>>, %arg5: memref<32x10240xf32, #tpu.memory_space<hbm>>, %arg6: memref<10240xf32, #tpu.memory_space<vmem>>, %arg7: memref<10240xf32, #tpu.memory_space<vmem>>, %arg8: memref<10240xi32, #tpu.memory_space<vmem>>, %arg9: memref<10240xi32, #tpu.memory_space<vmem>>) attributes {dimension_semantics = [#tpu.dimension_semantics<core_parallel>, #tpu.dimension_semantics<subcore_parallel>], iteration_bounds = array<i64: 2, 16>, scalar_prefetch = 0 : i64, scratch_operands = 4 : i64, tpu.core_type = #tpu.core_type<sc_vector_subcore>, window_params = [{transform_indices = #map}, {transform_indices = #map}, {transform_indices = #map}, {transform_indices = #map1}]} {
    %mul3A = arith.constant 16 : i32
    %mul3A_0 = arith.muli %arg0, %mul3A : i32
    %add3A = arith.addi %mul3A_0, %arg1 : i32
    "tpu.region"() ({
      %run_scoped3A = tpu.sem_alloc : memref<!tpu.dma_semaphore, #tpu.memory_space<semaphore_mem>>
      tpu.enqueue_dma source(%arg2 : memref<10240xf32, #tpu.memory_space<hbm>>) target(%arg6 : memref<10240xf32, #tpu.memory_space<vmem>>) target_semaphore(%run_scoped3A : memref<!tpu.dma_semaphore, #tpu.memory_space<semaphore_mem>>)
      tpu.wait_dma2 semaphore(%run_scoped3A : memref<!tpu.dma_semaphore, #tpu.memory_space<semaphore_mem>>) src(%arg2 : memref<10240xf32, #tpu.memory_space<hbm>>) dst(%arg6 : memref<10240xf32, #tpu.memory_space<vmem>>)
      tpu.yield
    }) : () -> ()
    %mul3A_1 = arith.constant 10000 : i32
    %mul3A_2 = arith.muli %add3A, %mul3A_1 : i32
    "tpu.region"() ({
      %run_scoped3A = tpu.sem_alloc : memref<!tpu.dma_semaphore, #tpu.memory_space<semaphore_mem>>
      %dma_start3A = arith.constant 0 : i32
      %dma_start3A_23 = tpu.memref_slice %arg8[%dma_start3A] : memref<10240xi32, #tpu.memory_space<vmem>> -> memref<10000xi32, #tpu.memory_space<vmem>>
      %dma_start3A_24 = tpu.memref_slice %arg3[%mul3A_2] : memref<320000xi32, #tpu.memory_space<hbm>> -> memref<10000xi32, #tpu.memory_space<hbm>>
      %dma_start3A_25 = arith.constant 0 : i32
      %dma_start3A_26 = tpu.memref_slice %arg8[%dma_start3A_25] : memref<10240xi32, #tpu.memory_space<vmem>> -> memref<10000xi32, #tpu.memory_space<vmem>>
      %dma_start3A_27 = tpu.memref_slice %arg3[%mul3A_2] : memref<320000xi32, #tpu.memory_space<hbm>> -> memref<10000xi32, #tpu.memory_space<hbm>>
      tpu.enqueue_dma source(%dma_start3A_27 : memref<10000xi32, #tpu.memory_space<hbm>>) target(%dma_start3A_26 : memref<10000xi32, #tpu.memory_space<vmem>>) target_semaphore(%run_scoped3A : memref<!tpu.dma_semaphore, #tpu.memory_space<semaphore_mem>>)
      %dma_wait3A = arith.constant 0 : i32
      %dma_wait3A_28 = tpu.memref_slice %arg8[%dma_wait3A] : memref<10240xi32, #tpu.memory_space<vmem>> -> memref<10000xi32, #tpu.memory_space<vmem>>
      %dma_wait3A_29 = tpu.memref_slice %arg3[%mul3A_2] : memref<320000xi32, #tpu.memory_space<hbm>> -> memref<10000xi32, #tpu.memory_space<hbm>>
      %dma_wait3A_30 = arith.constant 0 : i32
      %dma_wait3A_31 = tpu.memref_slice %arg8[%dma_wait3A_30] : memref<10240xi32, #tpu.memory_space<vmem>> -> memref<10000xi32, #tpu.memory_space<vmem>>
      %dma_wait3A_32 = tpu.memref_slice %arg3[%mul3A_2] : memref<320000xi32, #tpu.memory_space<hbm>> -> memref<10000xi32, #tpu.memory_space<hbm>>
      tpu.wait_dma2 semaphore(%run_scoped3A : memref<!tpu.dma_semaphore, #tpu.memory_space<semaphore_mem>>) src(%dma_wait3A_32 : memref<10000xi32, #tpu.memory_space<hbm>>) dst(%dma_wait3A_31 : memref<10000xi32, #tpu.memory_space<vmem>>)
      tpu.yield
    }) : () -> ()
    %mul3A_3 = arith.constant 10000 : i32
    %mul3A_4 = arith.muli %add3A, %mul3A_3 : i32
    "tpu.region"() ({
      %run_scoped3A = tpu.sem_alloc : memref<!tpu.dma_semaphore, #tpu.memory_space<semaphore_mem>>
      %dma_start3A = arith.constant 0 : i32
      %dma_start3A_23 = tpu.memref_slice %arg9[%dma_start3A] : memref<10240xi32, #tpu.memory_space<vmem>> -> memref<10000xi32, #tpu.memory_space<vmem>>
      %dma_start3A_24 = tpu.memref_slice %arg4[%mul3A_4] : memref<320000xi32, #tpu.memory_space<hbm>> -> memref<10000xi32, #tpu.memory_space<hbm>>
      %dma_start3A_25 = arith.constant 0 : i32
      %dma_start3A_26 = tpu.memref_slice %arg9[%dma_start3A_25] : memref<10240xi32, #tpu.memory_space<vmem>> -> memref<10000xi32, #tpu.memory_space<vmem>>
      %dma_start3A_27 = tpu.memref_slice %arg4[%mul3A_4] : memref<320000xi32, #tpu.memory_space<hbm>> -> memref<10000xi32, #tpu.memory_space<hbm>>
      tpu.enqueue_dma source(%dma_start3A_27 : memref<10000xi32, #tpu.memory_space<hbm>>) target(%dma_start3A_26 : memref<10000xi32, #tpu.memory_space<vmem>>) target_semaphore(%run_scoped3A : memref<!tpu.dma_semaphore, #tpu.memory_space<semaphore_mem>>)
      %dma_wait3A = arith.constant 0 : i32
      %dma_wait3A_28 = tpu.memref_slice %arg9[%dma_wait3A] : memref<10240xi32, #tpu.memory_space<vmem>> -> memref<10000xi32, #tpu.memory_space<vmem>>
      %dma_wait3A_29 = tpu.memref_slice %arg4[%mul3A_4] : memref<320000xi32, #tpu.memory_space<hbm>> -> memref<10000xi32, #tpu.memory_space<hbm>>
      %dma_wait3A_30 = arith.constant 0 : i32
      %dma_wait3A_31 = tpu.memref_slice %arg9[%dma_wait3A_30] : memref<10240xi32, #tpu.memory_space<vmem>> -> memref<10000xi32, #tpu.memory_space<vmem>>
      %dma_wait3A_32 = tpu.memref_slice %arg4[%mul3A_4] : memref<320000xi32, #tpu.memory_space<hbm>> -> memref<10000xi32, #tpu.memory_space<hbm>>
      tpu.wait_dma2 semaphore(%run_scoped3A : memref<!tpu.dma_semaphore, #tpu.memory_space<semaphore_mem>>) src(%dma_wait3A_32 : memref<10000xi32, #tpu.memory_space<hbm>>) dst(%dma_wait3A_31 : memref<10000xi32, #tpu.memory_space<vmem>>)
      tpu.yield
    }) : () -> ()
    %broadcast_in_dim3A = arith.constant 0.000000e+00 : f32
    %broadcast_in_dim3A_5 = vector.broadcast %broadcast_in_dim3A : f32 to vector<16xf32>
    %scan3A = arith.constant 0 : i32
    %scan3A_6 = arith.constant 0 : i32
    %scan3A_7 = arith.constant 15 : i32
    %scan3A_8 = arith.addi %scan3A_6, %scan3A_7 : i32
    %scan3A_9 = arith.constant 1 : i32
    scf.for %scan3A_23 = %scan3A_6 to %scan3A_8 step %scan3A_9  : i32 {
      %mul3A_24 = arith.constant 16 : i32
      %mul3A_25 = arith.muli %scan3A_23, %mul3A_24 : i32
      %broadcast_in_dim3A_26 = vector.broadcast %mul3A_25 : i32 to vector<16xi32>
      %iota3A = tpu.iota {dimensions = array<i32: 0>} : vector<16xi32>
      %add3A_27 = arith.addi %broadcast_in_dim3A_26, %iota3A : vector<16xi32>
      %mul3A_28 = arith.constant 16 : i32
      %mul3A_29 = arith.muli %scan3A_23, %mul3A_28 : i32
      %add3A_30 = arith.constant 10000 : i32
      %add3A_31 = arith.addi %add3A_30, %mul3A_29 : i32
      %swap3A = arith.index_cast %add3A_31 : i32 to index
      %swap3A_32 = tpu.vector_load %arg8[%swap3A] {strides = array<i32>} : memref<10240xi32, #tpu.memory_space<vmem>>, vector<16xi32>,
      tpu.vector_store %arg8[%swap3A], %add3A_27 {strides = array<i32>} : memref<10240xi32, #tpu.memory_space<vmem>>, vector<16xi32>,
      %add3A_33 = arith.constant 10000 : i32
      %add3A_34 = vector.broadcast %add3A_33 : i32 to vector<16xi32>
      %add3A_35 = arith.addi %add3A_27, %add3A_34 : vector<16xi32>
      %mul3A_36 = arith.constant 16 : i32
      %mul3A_37 = arith.muli %scan3A_23, %mul3A_36 : i32
      %add3A_38 = arith.constant 10000 : i32
      %add3A_39 = arith.addi %add3A_38, %mul3A_37 : i32
      %swap3A_40 = arith.index_cast %add3A_39 : i32 to index
      %swap3A_41 = tpu.vector_load %arg9[%swap3A_40] {strides = array<i32>} : memref<10240xi32, #tpu.memory_space<vmem>>, vector<16xi32>,
      tpu.vector_store %arg9[%swap3A_40], %add3A_35 {strides = array<i32>} : memref<10240xi32, #tpu.memory_space<vmem>>, vector<16xi32>,
    }
    %scan3A_10 = arith.constant 15 : i32
    %scan3A_11 = arith.constant 0 : i32
    %scan3A_12 = arith.constant 0 : i32
    %scan3A_13 = arith.constant 640 : i32
    %scan3A_14 = arith.addi %scan3A_12, %scan3A_13 : i32
    %scan3A_15 = arith.constant 1 : i32
    scf.for %scan3A_23 = %scan3A_12 to %scan3A_14 step %scan3A_15  : i32 {
      %mul3A_24 = arith.constant 16 : i32
      %mul3A_25 = arith.muli %scan3A_23, %mul3A_24 : i32
      %swap3A = arith.index_cast %mul3A_25 : i32 to index
      %swap3A_26 = tpu.vector_load %arg7[%swap3A] {strides = array<i32>} : memref<10240xf32, #tpu.memory_space<vmem>>, vector<16xf32>,
      tpu.vector_store %arg7[%swap3A], %broadcast_in_dim3A_5 {strides = array<i32>} : memref<10240xf32, #tpu.memory_space<vmem>>, vector<16xf32>,
    }
    %scan3A_16 = arith.constant 640 : i32
    %scan3A_17 = arith.constant 0 : i32
    %scan3A_18 = arith.constant 0 : i32
    %scan3A_19 = arith.constant 640 : i32
    %scan3A_20 = arith.addi %scan3A_18, %scan3A_19 : i32
    %scan3A_21 = arith.constant 1 : i32
    scf.for %scan3A_23 = %scan3A_18 to %scan3A_20 step %scan3A_21  : i32 {
      %mul3A_24 = arith.constant 16 : i32
      %mul3A_25 = arith.muli %scan3A_23, %mul3A_24 : i32
      %get3A = arith.index_cast %mul3A_25 : i32 to index
      %get3A_26 = tpu.vector_load %arg8[%get3A] {strides = array<i32>} : memref<10240xi32, #tpu.memory_space<vmem>>, vector<16xi32>,
      %mul3A_27 = arith.constant 16 : i32
      %mul3A_28 = arith.muli %scan3A_23, %mul3A_27 : i32
      %get3A_29 = arith.index_cast %mul3A_28 : i32 to index
      %get3A_30 = tpu.vector_load %arg9[%get3A_29] {strides = array<i32>} : memref<10240xi32, #tpu.memory_space<vmem>>, vector<16xi32>,
      %gather3A = tpu.vector_load_idx %arg6[%get3A_26] : memref<10240xf32, #tpu.memory_space<vmem>>[vector<16xi32>], vector<16xf32>,
      tpu.vector_store_idx %arg7[%get3A_30], %gather3A {add = true} : memref<10240xf32, #tpu.memory_space<vmem>>[vector<16xi32>], vector<16xf32>,
    }
    %scan3A_22 = arith.constant 640 : i32
    "tpu.region"() ({
      %run_scoped3A = tpu.sem_alloc : memref<!tpu.dma_semaphore, #tpu.memory_space<semaphore_mem>>
      %dma_start3A = arith.constant 0 : i32
      %dma_start3A_23 = tpu.memref_slice %arg5[%add3A, %dma_start3A] : memref<32x10240xf32, #tpu.memory_space<hbm>> -> memref<1x10240xf32, #tpu.memory_space<hbm>>
      %dma_start3A_24 = tpu.memref_squeeze %dma_start3A_23 : memref<1x10240xf32, #tpu.memory_space<hbm>> -> memref<10240xf32, #tpu.memory_space<hbm>>
      %dma_start3A_25 = arith.constant 0 : i32
      %dma_start3A_26 = tpu.memref_slice %arg5[%add3A, %dma_start3A_25] : memref<32x10240xf32, #tpu.memory_space<hbm>> -> memref<1x10240xf32, #tpu.memory_space<hbm>>
      %dma_start3A_27 = tpu.memref_squeeze %dma_start3A_26 : memref<1x10240xf32, #tpu.memory_space<hbm>> -> memref<10240xf32, #tpu.memory_space<hbm>>
      tpu.enqueue_dma source(%arg7 : memref<10240xf32, #tpu.memory_space<vmem>>) target(%dma_start3A_27 : memref<10240xf32, #tpu.memory_space<hbm>>) target_semaphore(%run_scoped3A : memref<!tpu.dma_semaphore, #tpu.memory_space<semaphore_mem>>)
      %dma_wait3A = arith.constant 0 : i32
      %dma_wait3A_28 = tpu.memref_slice %arg5[%add3A, %dma_wait3A] : memref<32x10240xf32, #tpu.memory_space<hbm>> -> memref<1x10240xf32, #tpu.memory_space<hbm>>
      %dma_wait3A_29 = tpu.memref_squeeze %dma_wait3A_28 : memref<1x10240xf32, #tpu.memory_space<hbm>> -> memref<10240xf32, #tpu.memory_space<hbm>>
      %dma_wait3A_30 = arith.constant 0 : i32
      %dma_wait3A_31 = tpu.memref_slice %arg5[%add3A, %dma_wait3A_30] : memref<32x10240xf32, #tpu.memory_space<hbm>> -> memref<1x10240xf32, #tpu.memory_space<hbm>>
      %dma_wait3A_32 = tpu.memref_squeeze %dma_wait3A_31 : memref<1x10240xf32, #tpu.memory_space<hbm>> -> memref<10240xf32, #tpu.memory_space<hbm>>
      tpu.wait_dma2 semaphore(%run_scoped3A : memref<!tpu.dma_semaphore, #tpu.memory_space<semaphore_mem>>) src(%arg7 : memref<10240xf32, #tpu.memory_space<vmem>>) dst(%dma_wait3A_32 : memref<10240xf32, #tpu.memory_space<hbm>>)
      tpu.yield
    }) : () -> ()
    return
  }
}

#map = affine_map<(d0, d1) -> (0, 0)>
#map1 = affine_map<(d0, d1) -> (0)>
#map2 = affine_map<(d0, d1) -> (0, 0, 0)>
module attributes {stable_mosaic.version = 14 : i64} {
  func.func @k(%arg0: i32, %arg1: i32, %arg2: memref<10000x128xf32, #tpu.memory_space<hbm>>, %arg3: memref<320000xi32, #tpu.memory_space<hbm>>, %arg4: memref<320000xi32, #tpu.memory_space<hbm>>, %arg5: memref<2x10240x128xf32, #tpu.memory_space<hbm>>, %arg6: memref<32x10240xf32, #tpu.memory_space<hbm>>, %arg7: memref<10240x128xf32, #tpu.memory_space<vmem_shared>>, %arg8: memref<10240xi32, #tpu.memory_space<vmem>>, %arg9: memref<10240xi32, #tpu.memory_space<vmem>>, %arg10: memref<2x64x128xf32, #tpu.memory_space<vmem>>, %arg11: memref<10240xf32, #tpu.memory_space<vmem>>, %arg12: memref<2x!tpu.dma_semaphore, #tpu.memory_space<semaphore_mem>>, %arg13: memref<2x!tpu.dma_semaphore, #tpu.memory_space<semaphore_mem>>) attributes {dimension_semantics = [#tpu.dimension_semantics<core_parallel>, #tpu.dimension_semantics<subcore_parallel>], iteration_bounds = array<i64: 2, 16>, scalar_prefetch = 0 : i64, scratch_operands = 7 : i64, tpu.core_type = #tpu.core_type<sc_vector_subcore>, window_params = [{transform_indices = #map}, {transform_indices = #map1}, {transform_indices = #map1}, {transform_indices = #map2}, {transform_indices = #map}]} {
    %mul3A = arith.constant 16 : i32
    %mul3A_0 = arith.muli %arg0, %mul3A : i32
    %add3A = arith.addi %mul3A_0, %arg1 : i32
    %broadcast_in_dim3A = arith.constant 0.000000e+00 : f32
    %broadcast_in_dim3A_1 = vector.broadcast %broadcast_in_dim3A : f32 to vector<16xf32>
    %broadcast_in_dim3A_2 = arith.constant 1.000000e+00 : f32
    %broadcast_in_dim3A_3 = vector.broadcast %broadcast_in_dim3A_2 : f32 to vector<16xf32>
    "tpu.trace_start"() <{level = 10 : i32, message = "zero_stage"}> : () -> ()
    %mul3A_4 = arith.constant 10000 : i32
    %mul3A_5 = arith.muli %add3A, %mul3A_4 : i32
    "tpu.region"() ({
      %run_scoped3A_146 = tpu.sem_alloc : memref<!tpu.dma_semaphore, #tpu.memory_space<semaphore_mem>>
      %dma_start3A_147 = arith.constant 0 : i32
      %dma_start3A_148 = tpu.memref_slice %arg8[%dma_start3A_147] : memref<10240xi32, #tpu.memory_space<vmem>> -> memref<10000xi32, #tpu.memory_space<vmem>>
      %dma_start3A_149 = tpu.memref_slice %arg3[%mul3A_5] : memref<320000xi32, #tpu.memory_space<hbm>> -> memref<10000xi32, #tpu.memory_space<hbm>>
      %dma_start3A_150 = arith.constant 0 : i32
      %dma_start3A_151 = tpu.memref_slice %arg8[%dma_start3A_150] : memref<10240xi32, #tpu.memory_space<vmem>> -> memref<10000xi32, #tpu.memory_space<vmem>>
      %dma_start3A_152 = tpu.memref_slice %arg3[%mul3A_5] : memref<320000xi32, #tpu.memory_space<hbm>> -> memref<10000xi32, #tpu.memory_space<hbm>>
      tpu.enqueue_dma source(%dma_start3A_152 : memref<10000xi32, #tpu.memory_space<hbm>>) target(%dma_start3A_151 : memref<10000xi32, #tpu.memory_space<vmem>>) target_semaphore(%run_scoped3A_146 : memref<!tpu.dma_semaphore, #tpu.memory_space<semaphore_mem>>)
      %dma_wait3A = arith.constant 0 : i32
      %dma_wait3A_153 = tpu.memref_slice %arg8[%dma_wait3A] : memref<10240xi32, #tpu.memory_space<vmem>> -> memref<10000xi32, #tpu.memory_space<vmem>>
      %dma_wait3A_154 = tpu.memref_slice %arg3[%mul3A_5] : memref<320000xi32, #tpu.memory_space<hbm>> -> memref<10000xi32, #tpu.memory_space<hbm>>
      %dma_wait3A_155 = arith.constant 0 : i32
      %dma_wait3A_156 = tpu.memref_slice %arg8[%dma_wait3A_155] : memref<10240xi32, #tpu.memory_space<vmem>> -> memref<10000xi32, #tpu.memory_space<vmem>>
      %dma_wait3A_157 = tpu.memref_slice %arg3[%mul3A_5] : memref<320000xi32, #tpu.memory_space<hbm>> -> memref<10000xi32, #tpu.memory_space<hbm>>
      tpu.wait_dma2 semaphore(%run_scoped3A_146 : memref<!tpu.dma_semaphore, #tpu.memory_space<semaphore_mem>>) src(%dma_wait3A_157 : memref<10000xi32, #tpu.memory_space<hbm>>) dst(%dma_wait3A_156 : memref<10000xi32, #tpu.memory_space<vmem>>)
      tpu.yield
    }) : () -> ()
    %mul3A_6 = arith.constant 10000 : i32
    %mul3A_7 = arith.muli %add3A, %mul3A_6 : i32
    "tpu.region"() ({
      %run_scoped3A_146 = tpu.sem_alloc : memref<!tpu.dma_semaphore, #tpu.memory_space<semaphore_mem>>
      %dma_start3A_147 = arith.constant 0 : i32
      %dma_start3A_148 = tpu.memref_slice %arg9[%dma_start3A_147] : memref<10240xi32, #tpu.memory_space<vmem>> -> memref<10000xi32, #tpu.memory_space<vmem>>
      %dma_start3A_149 = tpu.memref_slice %arg4[%mul3A_7] : memref<320000xi32, #tpu.memory_space<hbm>> -> memref<10000xi32, #tpu.memory_space<hbm>>
      %dma_start3A_150 = arith.constant 0 : i32
      %dma_start3A_151 = tpu.memref_slice %arg9[%dma_start3A_150] : memref<10240xi32, #tpu.memory_space<vmem>> -> memref<10000xi32, #tpu.memory_space<vmem>>
      %dma_start3A_152 = tpu.memref_slice %arg4[%mul3A_7] : memref<320000xi32, #tpu.memory_space<hbm>> -> memref<10000xi32, #tpu.memory_space<hbm>>
      tpu.enqueue_dma source(%dma_start3A_152 : memref<10000xi32, #tpu.memory_space<hbm>>) target(%dma_start3A_151 : memref<10000xi32, #tpu.memory_space<vmem>>) target_semaphore(%run_scoped3A_146 : memref<!tpu.dma_semaphore, #tpu.memory_space<semaphore_mem>>)
      %dma_wait3A = arith.constant 0 : i32
      %dma_wait3A_153 = tpu.memref_slice %arg9[%dma_wait3A] : memref<10240xi32, #tpu.memory_space<vmem>> -> memref<10000xi32, #tpu.memory_space<vmem>>
      %dma_wait3A_154 = tpu.memref_slice %arg4[%mul3A_7] : memref<320000xi32, #tpu.memory_space<hbm>> -> memref<10000xi32, #tpu.memory_space<hbm>>
      %dma_wait3A_155 = arith.constant 0 : i32
      %dma_wait3A_156 = tpu.memref_slice %arg9[%dma_wait3A_155] : memref<10240xi32, #tpu.memory_space<vmem>> -> memref<10000xi32, #tpu.memory_space<vmem>>
      %dma_wait3A_157 = tpu.memref_slice %arg4[%mul3A_7] : memref<320000xi32, #tpu.memory_space<hbm>> -> memref<10000xi32, #tpu.memory_space<hbm>>
      tpu.wait_dma2 semaphore(%run_scoped3A_146 : memref<!tpu.dma_semaphore, #tpu.memory_space<semaphore_mem>>) src(%dma_wait3A_157 : memref<10000xi32, #tpu.memory_space<hbm>>) dst(%dma_wait3A_156 : memref<10000xi32, #tpu.memory_space<vmem>>)
      tpu.yield
    }) : () -> ()
    %scan3A = arith.constant 0 : i32
    %scan3A_8 = arith.constant 0 : i32
    %scan3A_9 = arith.constant 15 : i32
    %scan3A_10 = arith.addi %scan3A_8, %scan3A_9 : i32
    %scan3A_11 = arith.constant 1 : i32
    scf.for %scan3A_146 = %scan3A_8 to %scan3A_10 step %scan3A_11  : i32 {
      %mul3A_147 = arith.constant 16 : i32
      %mul3A_148 = arith.muli %scan3A_146, %mul3A_147 : i32
      %broadcast_in_dim3A_149 = vector.broadcast %mul3A_148 : i32 to vector<16xi32>
      %iota3A = tpu.iota {dimensions = array<i32: 0>} : vector<16xi32>
      %add3A_150 = arith.addi %broadcast_in_dim3A_149, %iota3A : vector<16xi32>
      %mul3A_151 = arith.constant 16 : i32
      %mul3A_152 = arith.muli %scan3A_146, %mul3A_151 : i32
      %add3A_153 = arith.constant 10000 : i32
      %add3A_154 = arith.addi %add3A_153, %mul3A_152 : i32
      %swap3A = arith.index_cast %add3A_154 : i32 to index
      %swap3A_155 = tpu.vector_load %arg8[%swap3A] {strides = array<i32>} : memref<10240xi32, #tpu.memory_space<vmem>>, vector<16xi32>,
      tpu.vector_store %arg8[%swap3A], %add3A_150 {strides = array<i32>} : memref<10240xi32, #tpu.memory_space<vmem>>, vector<16xi32>,
      %add3A_156 = arith.constant 10000 : i32
      %add3A_157 = vector.broadcast %add3A_156 : i32 to vector<16xi32>
      %add3A_158 = arith.addi %add3A_150, %add3A_157 : vector<16xi32>
      %mul3A_159 = arith.constant 16 : i32
      %mul3A_160 = arith.muli %scan3A_146, %mul3A_159 : i32
      %add3A_161 = arith.constant 10000 : i32
      %add3A_162 = arith.addi %add3A_161, %mul3A_160 : i32
      %swap3A_163 = arith.index_cast %add3A_162 : i32 to index
      %swap3A_164 = tpu.vector_load %arg9[%swap3A_163] {strides = array<i32>} : memref<10240xi32, #tpu.memory_space<vmem>>, vector<16xi32>,
      tpu.vector_store %arg9[%swap3A_163], %add3A_158 {strides = array<i32>} : memref<10240xi32, #tpu.memory_space<vmem>>, vector<16xi32>,
    }
    %scan3A_12 = arith.constant 15 : i32
    %scan3A_13 = arith.constant 0 : i32
    %scan3A_14 = arith.constant 0 : i32
    %scan3A_15 = arith.constant 640 : i32
    %scan3A_16 = arith.addi %scan3A_14, %scan3A_15 : i32
    %scan3A_17 = arith.constant 1 : i32
    scf.for %scan3A_146 = %scan3A_14 to %scan3A_16 step %scan3A_17  : i32 {
      %mul3A_147 = arith.constant 16 : i32
      %mul3A_148 = arith.muli %scan3A_146, %mul3A_147 : i32
      %swap3A = arith.index_cast %mul3A_148 : i32 to index
      %swap3A_149 = tpu.vector_load %arg11[%swap3A] {strides = array<i32>} : memref<10240xf32, #tpu.memory_space<vmem>>, vector<16xf32>,
      tpu.vector_store %arg11[%swap3A], %broadcast_in_dim3A_1 {strides = array<i32>} : memref<10240xf32, #tpu.memory_space<vmem>>, vector<16xf32>,
    }
    %scan3A_18 = arith.constant 640 : i32
    %scan3A_19 = arith.constant 0 : i32
    %scan3A_20 = arith.constant 0 : i32
    %scan3A_21 = arith.constant 64 : i32
    %scan3A_22 = arith.addi %scan3A_20, %scan3A_21 : i32
    %scan3A_23 = arith.constant 1 : i32
    scf.for %scan3A_146 = %scan3A_20 to %scan3A_22 step %scan3A_23  : i32 {
      %swap3A = arith.constant 0 : i32
      %swap3A_147 = arith.index_cast %swap3A : i32 to index
      %swap3A_148 = arith.index_cast %scan3A_146 : i32 to index
      %swap3A_149 = arith.constant 0 : index
      %swap3A_150 = tpu.vector_load %arg10[%swap3A_147, %swap3A_148, %swap3A_149] {strides = array<i32>} : memref<2x64x128xf32, #tpu.memory_space<vmem>>, vector<16xf32>,
      tpu.vector_store %arg10[%swap3A_147, %swap3A_148, %swap3A_149], %broadcast_in_dim3A_1 {strides = array<i32>} : memref<2x64x128xf32, #tpu.memory_space<vmem>>, vector<16xf32>,
      %swap3A_151 = arith.constant 0 : i32
      %swap3A_152 = arith.index_cast %swap3A_151 : i32 to index
      %swap3A_153 = arith.index_cast %scan3A_146 : i32 to index
      %swap3A_154 = arith.constant 16 : index
      %swap3A_155 = tpu.vector_load %arg10[%swap3A_152, %swap3A_153, %swap3A_154] {strides = array<i32>} : memref<2x64x128xf32, #tpu.memory_space<vmem>>, vector<16xf32>,
      tpu.vector_store %arg10[%swap3A_152, %swap3A_153, %swap3A_154], %broadcast_in_dim3A_1 {strides = array<i32>} : memref<2x64x128xf32, #tpu.memory_space<vmem>>, vector<16xf32>,
      %swap3A_156 = arith.constant 0 : i32
      %swap3A_157 = arith.index_cast %swap3A_156 : i32 to index
      %swap3A_158 = arith.index_cast %scan3A_146 : i32 to index
      %swap3A_159 = arith.constant 32 : index
      %swap3A_160 = tpu.vector_load %arg10[%swap3A_157, %swap3A_158, %swap3A_159] {strides = array<i32>} : memref<2x64x128xf32, #tpu.memory_space<vmem>>, vector<16xf32>,
      tpu.vector_store %arg10[%swap3A_157, %swap3A_158, %swap3A_159], %broadcast_in_dim3A_1 {strides = array<i32>} : memref<2x64x128xf32, #tpu.memory_space<vmem>>, vector<16xf32>,
      %swap3A_161 = arith.constant 0 : i32
      %swap3A_162 = arith.index_cast %swap3A_161 : i32 to index
      %swap3A_163 = arith.index_cast %scan3A_146 : i32 to index
      %swap3A_164 = arith.constant 48 : index
      %swap3A_165 = tpu.vector_load %arg10[%swap3A_162, %swap3A_163, %swap3A_164] {strides = array<i32>} : memref<2x64x128xf32, #tpu.memory_space<vmem>>, vector<16xf32>,
      tpu.vector_store %arg10[%swap3A_162, %swap3A_163, %swap3A_164], %broadcast_in_dim3A_1 {strides = array<i32>} : memref<2x64x128xf32, #tpu.memory_space<vmem>>, vector<16xf32>,
      %swap3A_166 = arith.constant 0 : i32
      %swap3A_167 = arith.index_cast %swap3A_166 : i32 to index
      %swap3A_168 = arith.index_cast %scan3A_146 : i32 to index
      %swap3A_169 = arith.constant 64 : index
      %swap3A_170 = tpu.vector_load %arg10[%swap3A_167, %swap3A_168, %swap3A_169] {strides = array<i32>} : memref<2x64x128xf32, #tpu.memory_space<vmem>>, vector<16xf32>,
      tpu.vector_store %arg10[%swap3A_167, %swap3A_168, %swap3A_169], %broadcast_in_dim3A_1 {strides = array<i32>} : memref<2x64x128xf32, #tpu.memory_space<vmem>>, vector<16xf32>,
      %swap3A_171 = arith.constant 0 : i32
      %swap3A_172 = arith.index_cast %swap3A_171 : i32 to index
      %swap3A_173 = arith.index_cast %scan3A_146 : i32 to index
      %swap3A_174 = arith.constant 80 : index
      %swap3A_175 = tpu.vector_load %arg10[%swap3A_172, %swap3A_173, %swap3A_174] {strides = array<i32>} : memref<2x64x128xf32, #tpu.memory_space<vmem>>, vector<16xf32>,
      tpu.vector_store %arg10[%swap3A_172, %swap3A_173, %swap3A_174], %broadcast_in_dim3A_1 {strides = array<i32>} : memref<2x64x128xf32, #tpu.memory_space<vmem>>, vector<16xf32>,
      %swap3A_176 = arith.constant 0 : i32
      %swap3A_177 = arith.index_cast %swap3A_176 : i32 to index
      %swap3A_178 = arith.index_cast %scan3A_146 : i32 to index
      %swap3A_179 = arith.constant 96 : index
      %swap3A_180 = tpu.vector_load %arg10[%swap3A_177, %swap3A_178, %swap3A_179] {strides = array<i32>} : memref<2x64x128xf32, #tpu.memory_space<vmem>>, vector<16xf32>,
      tpu.vector_store %arg10[%swap3A_177, %swap3A_178, %swap3A_179], %broadcast_in_dim3A_1 {strides = array<i32>} : memref<2x64x128xf32, #tpu.memory_space<vmem>>, vector<16xf32>,
      %swap3A_181 = arith.constant 0 : i32
      %swap3A_182 = arith.index_cast %swap3A_181 : i32 to index
      %swap3A_183 = arith.index_cast %scan3A_146 : i32 to index
      %swap3A_184 = arith.constant 112 : index
      %swap3A_185 = tpu.vector_load %arg10[%swap3A_182, %swap3A_183, %swap3A_184] {strides = array<i32>} : memref<2x64x128xf32, #tpu.memory_space<vmem>>, vector<16xf32>,
      tpu.vector_store %arg10[%swap3A_182, %swap3A_183, %swap3A_184], %broadcast_in_dim3A_1 {strides = array<i32>} : memref<2x64x128xf32, #tpu.memory_space<vmem>>, vector<16xf32>,
    }
    %scan3A_24 = arith.constant 64 : i32
    %mul3A_25 = arith.constant 640 : i32
    %mul3A_26 = arith.muli %arg1, %mul3A_25 : i32
    %add3A_27 = arith.constant 0 : i32
    %add3A_28 = arith.addi %mul3A_26, %add3A_27 : i32
    %run_scoped3A = arith.constant 0 : i32
    "tpu.region"() ({
      %run_scoped3A_146 = tpu.sem_alloc : memref<!tpu.dma_semaphore, #tpu.memory_space<semaphore_mem>>
      %dma_start3A_147 = arith.constant 0 : i32
      %dma_start3A_148 = arith.constant 0 : i32
      %dma_start3A_149 = tpu.memref_slice %arg10[%run_scoped3A, %dma_start3A_147, %dma_start3A_148] : memref<2x64x128xf32, #tpu.memory_space<vmem>> -> memref<1x64x128xf32, #tpu.memory_space<vmem>>
      %dma_start3A_150 = tpu.memref_squeeze %dma_start3A_149 : memref<1x64x128xf32, #tpu.memory_space<vmem>> -> memref<64x128xf32, #tpu.memory_space<vmem>>
      %dma_start3A_151 = arith.constant 0 : i32
      %dma_start3A_152 = tpu.memref_slice %arg7[%add3A_28, %dma_start3A_151] : memref<10240x128xf32, #tpu.memory_space<vmem_shared>> -> memref<64x128xf32, #tpu.memory_space<vmem_shared>>
      %dma_start3A_153 = arith.constant 0 : i32
      %dma_start3A_154 = tpu.memref_slice %arg7[%add3A_28, %dma_start3A_153] : memref<10240x128xf32, #tpu.memory_space<vmem_shared>> -> memref<64x128xf32, #tpu.memory_space<vmem_shared>>
      %dma_start3A_155 = arith.constant 0 : i32
      %dma_start3A_156 = arith.constant 0 : i32
      %dma_start3A_157 = tpu.memref_slice %arg10[%run_scoped3A, %dma_start3A_155, %dma_start3A_156] : memref<2x64x128xf32, #tpu.memory_space<vmem>> -> memref<1x64x128xf32, #tpu.memory_space<vmem>>
      %dma_start3A_158 = tpu.memref_squeeze %dma_start3A_157 : memref<1x64x128xf32, #tpu.memory_space<vmem>> -> memref<64x128xf32, #tpu.memory_space<vmem>>
      tpu.enqueue_dma source(%dma_start3A_158 : memref<64x128xf32, #tpu.memory_space<vmem>>) target(%dma_start3A_154 : memref<64x128xf32, #tpu.memory_space<vmem_shared>>) target_semaphore(%run_scoped3A_146 : memref<!tpu.dma_semaphore, #tpu.memory_space<semaphore_mem>>)
      %dma_wait3A = arith.constant 0 : i32
      %dma_wait3A_159 = arith.constant 0 : i32
      %dma_wait3A_160 = tpu.memref_slice %arg10[%run_scoped3A, %dma_wait3A, %dma_wait3A_159] : memref<2x64x128xf32, #tpu.memory_space<vmem>> -> memref<1x64x128xf32, #tpu.memory_space<vmem>>
      %dma_wait3A_161 = tpu.memref_squeeze %dma_wait3A_160 : memref<1x64x128xf32, #tpu.memory_space<vmem>> -> memref<64x128xf32, #tpu.memory_space<vmem>>
      %dma_wait3A_162 = arith.constant 0 : i32
      %dma_wait3A_163 = tpu.memref_slice %arg7[%add3A_28, %dma_wait3A_162] : memref<10240x128xf32, #tpu.memory_space<vmem_shared>> -> memref<64x128xf32, #tpu.memory_space<vmem_shared>>
      %dma_wait3A_164 = arith.constant 0 : i32
      %dma_wait3A_165 = tpu.memref_slice %arg7[%add3A_28, %dma_wait3A_164] : memref<10240x128xf32, #tpu.memory_space<vmem_shared>> -> memref<64x128xf32, #tpu.memory_space<vmem_shared>>
      %dma_wait3A_166 = arith.constant 0 : i32
      %dma_wait3A_167 = arith.constant 0 : i32
      %dma_wait3A_168 = tpu.memref_slice %arg10[%run_scoped3A, %dma_wait3A_166, %dma_wait3A_167] : memref<2x64x128xf32, #tpu.memory_space<vmem>> -> memref<1x64x128xf32, #tpu.memory_space<vmem>>
      %dma_wait3A_169 = tpu.memref_squeeze %dma_wait3A_168 : memref<1x64x128xf32, #tpu.memory_space<vmem>> -> memref<64x128xf32, #tpu.memory_space<vmem>>
      tpu.wait_dma2 semaphore(%run_scoped3A_146 : memref<!tpu.dma_semaphore, #tpu.memory_space<semaphore_mem>>) src(%dma_wait3A_169 : memref<64x128xf32, #tpu.memory_space<vmem>>) dst(%dma_wait3A_165 : memref<64x128xf32, #tpu.memory_space<vmem_shared>>)
      tpu.yield
    }) : () -> ()
    %mul3A_29 = arith.constant 640 : i32
    %mul3A_30 = arith.muli %arg1, %mul3A_29 : i32
    %add3A_31 = arith.constant 64 : i32
    %add3A_32 = arith.addi %mul3A_30, %add3A_31 : i32
    %run_scoped3A_33 = arith.constant 0 : i32
    "tpu.region"() ({
      %run_scoped3A_146 = tpu.sem_alloc : memref<!tpu.dma_semaphore, #tpu.memory_space<semaphore_mem>>
      %dma_start3A_147 = arith.constant 0 : i32
      %dma_start3A_148 = arith.constant 0 : i32
      %dma_start3A_149 = tpu.memref_slice %arg10[%run_scoped3A_33, %dma_start3A_147, %dma_start3A_148] : memref<2x64x128xf32, #tpu.memory_space<vmem>> -> memref<1x64x128xf32, #tpu.memory_space<vmem>>
      %dma_start3A_150 = tpu.memref_squeeze %dma_start3A_149 : memref<1x64x128xf32, #tpu.memory_space<vmem>> -> memref<64x128xf32, #tpu.memory_space<vmem>>
      %dma_start3A_151 = arith.constant 0 : i32
      %dma_start3A_152 = tpu.memref_slice %arg7[%add3A_32, %dma_start3A_151] : memref<10240x128xf32, #tpu.memory_space<vmem_shared>> -> memref<64x128xf32, #tpu.memory_space<vmem_shared>>
      %dma_start3A_153 = arith.constant 0 : i32
      %dma_start3A_154 = tpu.memref_slice %arg7[%add3A_32, %dma_start3A_153] : memref<10240x128xf32, #tpu.memory_space<vmem_shared>> -> memref<64x128xf32, #tpu.memory_space<vmem_shared>>
      %dma_start3A_155 = arith.constant 0 : i32
      %dma_start3A_156 = arith.constant 0 : i32
      %dma_start3A_157 = tpu.memref_slice %arg10[%run_scoped3A_33, %dma_start3A_155, %dma_start3A_156] : memref<2x64x128xf32, #tpu.memory_space<vmem>> -> memref<1x64x128xf32, #tpu.memory_space<vmem>>
      %dma_start3A_158 = tpu.memref_squeeze %dma_start3A_157 : memref<1x64x128xf32, #tpu.memory_space<vmem>> -> memref<64x128xf32, #tpu.memory_space<vmem>>
      tpu.enqueue_dma source(%dma_start3A_158 : memref<64x128xf32, #tpu.memory_space<vmem>>) target(%dma_start3A_154 : memref<64x128xf32, #tpu.memory_space<vmem_shared>>) target_semaphore(%run_scoped3A_146 : memref<!tpu.dma_semaphore, #tpu.memory_space<semaphore_mem>>)
      %dma_wait3A = arith.constant 0 : i32
      %dma_wait3A_159 = arith.constant 0 : i32
      %dma_wait3A_160 = tpu.memref_slice %arg10[%run_scoped3A_33, %dma_wait3A, %dma_wait3A_159] : memref<2x64x128xf32, #tpu.memory_space<vmem>> -> memref<1x64x128xf32, #tpu.memory_space<vmem>>
      %dma_wait3A_161 = tpu.memref_squeeze %dma_wait3A_160 : memref<1x64x128xf32, #tpu.memory_space<vmem>> -> memref<64x128xf32, #tpu.memory_space<vmem>>
      %dma_wait3A_162 = arith.constant 0 : i32
      %dma_wait3A_163 = tpu.memref_slice %arg7[%add3A_32, %dma_wait3A_162] : memref<10240x128xf32, #tpu.memory_space<vmem_shared>> -> memref<64x128xf32, #tpu.memory_space<vmem_shared>>
      %dma_wait3A_164 = arith.constant 0 : i32
      %dma_wait3A_165 = tpu.memref_slice %arg7[%add3A_32, %dma_wait3A_164] : memref<10240x128xf32, #tpu.memory_space<vmem_shared>> -> memref<64x128xf32, #tpu.memory_space<vmem_shared>>
      %dma_wait3A_166 = arith.constant 0 : i32
      %dma_wait3A_167 = arith.constant 0 : i32
      %dma_wait3A_168 = tpu.memref_slice %arg10[%run_scoped3A_33, %dma_wait3A_166, %dma_wait3A_167] : memref<2x64x128xf32, #tpu.memory_space<vmem>> -> memref<1x64x128xf32, #tpu.memory_space<vmem>>
      %dma_wait3A_169 = tpu.memref_squeeze %dma_wait3A_168 : memref<1x64x128xf32, #tpu.memory_space<vmem>> -> memref<64x128xf32, #tpu.memory_space<vmem>>
      tpu.wait_dma2 semaphore(%run_scoped3A_146 : memref<!tpu.dma_semaphore, #tpu.memory_space<semaphore_mem>>) src(%dma_wait3A_169 : memref<64x128xf32, #tpu.memory_space<vmem>>) dst(%dma_wait3A_165 : memref<64x128xf32, #tpu.memory_space<vmem_shared>>)
      tpu.yield
    }) : () -> ()
    %mul3A_34 = arith.constant 640 : i32
    %mul3A_35 = arith.muli %arg1, %mul3A_34 : i32
    %add3A_36 = arith.constant 128 : i32
    %add3A_37 = arith.addi %mul3A_35, %add3A_36 : i32
    %run_scoped3A_38 = arith.constant 0 : i32
    "tpu.region"() ({
      %run_scoped3A_146 = tpu.sem_alloc : memref<!tpu.dma_semaphore, #tpu.memory_space<semaphore_mem>>
      %dma_start3A_147 = arith.constant 0 : i32
      %dma_start3A_148 = arith.constant 0 : i32
      %dma_start3A_149 = tpu.memref_slice %arg10[%run_scoped3A_38, %dma_start3A_147, %dma_start3A_148] : memref<2x64x128xf32, #tpu.memory_space<vmem>> -> memref<1x64x128xf32, #tpu.memory_space<vmem>>
      %dma_start3A_150 = tpu.memref_squeeze %dma_start3A_149 : memref<1x64x128xf32, #tpu.memory_space<vmem>> -> memref<64x128xf32, #tpu.memory_space<vmem>>
      %dma_start3A_151 = arith.constant 0 : i32
      %dma_start3A_152 = tpu.memref_slice %arg7[%add3A_37, %dma_start3A_151] : memref<10240x128xf32, #tpu.memory_space<vmem_shared>> -> memref<64x128xf32, #tpu.memory_space<vmem_shared>>
      %dma_start3A_153 = arith.constant 0 : i32
      %dma_start3A_154 = tpu.memref_slice %arg7[%add3A_37, %dma_start3A_153] : memref<10240x128xf32, #tpu.memory_space<vmem_shared>> -> memref<64x128xf32, #tpu.memory_space<vmem_shared>>
      %dma_start3A_155 = arith.constant 0 : i32
      %dma_start3A_156 = arith.constant 0 : i32
      %dma_start3A_157 = tpu.memref_slice %arg10[%run_scoped3A_38, %dma_start3A_155, %dma_start3A_156] : memref<2x64x128xf32, #tpu.memory_space<vmem>> -> memref<1x64x128xf32, #tpu.memory_space<vmem>>
      %dma_start3A_158 = tpu.memref_squeeze %dma_start3A_157 : memref<1x64x128xf32, #tpu.memory_space<vmem>> -> memref<64x128xf32, #tpu.memory_space<vmem>>
      tpu.enqueue_dma source(%dma_start3A_158 : memref<64x128xf32, #tpu.memory_space<vmem>>) target(%dma_start3A_154 : memref<64x128xf32, #tpu.memory_space<vmem_shared>>) target_semaphore(%run_scoped3A_146 : memref<!tpu.dma_semaphore, #tpu.memory_space<semaphore_mem>>)
      %dma_wait3A = arith.constant 0 : i32
      %dma_wait3A_159 = arith.constant 0 : i32
      %dma_wait3A_160 = tpu.memref_slice %arg10[%run_scoped3A_38, %dma_wait3A, %dma_wait3A_159] : memref<2x64x128xf32, #tpu.memory_space<vmem>> -> memref<1x64x128xf32, #tpu.memory_space<vmem>>
      %dma_wait3A_161 = tpu.memref_squeeze %dma_wait3A_160 : memref<1x64x128xf32, #tpu.memory_space<vmem>> -> memref<64x128xf32, #tpu.memory_space<vmem>>
      %dma_wait3A_162 = arith.constant 0 : i32
      %dma_wait3A_163 = tpu.memref_slice %arg7[%add3A_37, %dma_wait3A_162] : memref<10240x128xf32, #tpu.memory_space<vmem_shared>> -> memref<64x128xf32, #tpu.memory_space<vmem_shared>>
      %dma_wait3A_164 = arith.constant 0 : i32
      %dma_wait3A_165 = tpu.memref_slice %arg7[%add3A_37, %dma_wait3A_164] : memref<10240x128xf32, #tpu.memory_space<vmem_shared>> -> memref<64x128xf32, #tpu.memory_space<vmem_shared>>
      %dma_wait3A_166 = arith.constant 0 : i32
      %dma_wait3A_167 = arith.constant 0 : i32
      %dma_wait3A_168 = tpu.memref_slice %arg10[%run_scoped3A_38, %dma_wait3A_166, %dma_wait3A_167] : memref<2x64x128xf32, #tpu.memory_space<vmem>> -> memref<1x64x128xf32, #tpu.memory_space<vmem>>
      %dma_wait3A_169 = tpu.memref_squeeze %dma_wait3A_168 : memref<1x64x128xf32, #tpu.memory_space<vmem>> -> memref<64x128xf32, #tpu.memory_space<vmem>>
      tpu.wait_dma2 semaphore(%run_scoped3A_146 : memref<!tpu.dma_semaphore, #tpu.memory_space<semaphore_mem>>) src(%dma_wait3A_169 : memref<64x128xf32, #tpu.memory_space<vmem>>) dst(%dma_wait3A_165 : memref<64x128xf32, #tpu.memory_space<vmem_shared>>)
      tpu.yield
    }) : () -> ()
    %mul3A_39 = arith.constant 640 : i32
    %mul3A_40 = arith.muli %arg1, %mul3A_39 : i32
    %add3A_41 = arith.constant 192 : i32
    %add3A_42 = arith.addi %mul3A_40, %add3A_41 : i32
    %run_scoped3A_43 = arith.constant 0 : i32
    "tpu.region"() ({
      %run_scoped3A_146 = tpu.sem_alloc : memref<!tpu.dma_semaphore, #tpu.memory_space<semaphore_mem>>
      %dma_start3A_147 = arith.constant 0 : i32
      %dma_start3A_148 = arith.constant 0 : i32
      %dma_start3A_149 = tpu.memref_slice %arg10[%run_scoped3A_43, %dma_start3A_147, %dma_start3A_148] : memref<2x64x128xf32, #tpu.memory_space<vmem>> -> memref<1x64x128xf32, #tpu.memory_space<vmem>>
      %dma_start3A_150 = tpu.memref_squeeze %dma_start3A_149 : memref<1x64x128xf32, #tpu.memory_space<vmem>> -> memref<64x128xf32, #tpu.memory_space<vmem>>
      %dma_start3A_151 = arith.constant 0 : i32
      %dma_start3A_152 = tpu.memref_slice %arg7[%add3A_42, %dma_start3A_151] : memref<10240x128xf32, #tpu.memory_space<vmem_shared>> -> memref<64x128xf32, #tpu.memory_space<vmem_shared>>
      %dma_start3A_153 = arith.constant 0 : i32
      %dma_start3A_154 = tpu.memref_slice %arg7[%add3A_42, %dma_start3A_153] : memref<10240x128xf32, #tpu.memory_space<vmem_shared>> -> memref<64x128xf32, #tpu.memory_space<vmem_shared>>
      %dma_start3A_155 = arith.constant 0 : i32
      %dma_start3A_156 = arith.constant 0 : i32
      %dma_start3A_157 = tpu.memref_slice %arg10[%run_scoped3A_43, %dma_start3A_155, %dma_start3A_156] : memref<2x64x128xf32, #tpu.memory_space<vmem>> -> memref<1x64x128xf32, #tpu.memory_space<vmem>>
      %dma_start3A_158 = tpu.memref_squeeze %dma_start3A_157 : memref<1x64x128xf32, #tpu.memory_space<vmem>> -> memref<64x128xf32, #tpu.memory_space<vmem>>
      tpu.enqueue_dma source(%dma_start3A_158 : memref<64x128xf32, #tpu.memory_space<vmem>>) target(%dma_start3A_154 : memref<64x128xf32, #tpu.memory_space<vmem_shared>>) target_semaphore(%run_scoped3A_146 : memref<!tpu.dma_semaphore, #tpu.memory_space<semaphore_mem>>)
      %dma_wait3A = arith.constant 0 : i32
      %dma_wait3A_159 = arith.constant 0 : i32
      %dma_wait3A_160 = tpu.memref_slice %arg10[%run_scoped3A_43, %dma_wait3A, %dma_wait3A_159] : memref<2x64x128xf32, #tpu.memory_space<vmem>> -> memref<1x64x128xf32, #tpu.memory_space<vmem>>
      %dma_wait3A_161 = tpu.memref_squeeze %dma_wait3A_160 : memref<1x64x128xf32, #tpu.memory_space<vmem>> -> memref<64x128xf32, #tpu.memory_space<vmem>>
      %dma_wait3A_162 = arith.constant 0 : i32
      %dma_wait3A_163 = tpu.memref_slice %arg7[%add3A_42, %dma_wait3A_162] : memref<10240x128xf32, #tpu.memory_space<vmem_shared>> -> memref<64x128xf32, #tpu.memory_space<vmem_shared>>
      %dma_wait3A_164 = arith.constant 0 : i32
      %dma_wait3A_165 = tpu.memref_slice %arg7[%add3A_42, %dma_wait3A_164] : memref<10240x128xf32, #tpu.memory_space<vmem_shared>> -> memref<64x128xf32, #tpu.memory_space<vmem_shared>>
      %dma_wait3A_166 = arith.constant 0 : i32
      %dma_wait3A_167 = arith.constant 0 : i32
      %dma_wait3A_168 = tpu.memref_slice %arg10[%run_scoped3A_43, %dma_wait3A_166, %dma_wait3A_167] : memref<2x64x128xf32, #tpu.memory_space<vmem>> -> memref<1x64x128xf32, #tpu.memory_space<vmem>>
      %dma_wait3A_169 = tpu.memref_squeeze %dma_wait3A_168 : memref<1x64x128xf32, #tpu.memory_space<vmem>> -> memref<64x128xf32, #tpu.memory_space<vmem>>
      tpu.wait_dma2 semaphore(%run_scoped3A_146 : memref<!tpu.dma_semaphore, #tpu.memory_space<semaphore_mem>>) src(%dma_wait3A_169 : memref<64x128xf32, #tpu.memory_space<vmem>>) dst(%dma_wait3A_165 : memref<64x128xf32, #tpu.memory_space<vmem_shared>>)
      tpu.yield
    }) : () -> ()
    %mul3A_44 = arith.constant 640 : i32
    %mul3A_45 = arith.muli %arg1, %mul3A_44 : i32
    %add3A_46 = arith.constant 256 : i32
    %add3A_47 = arith.addi %mul3A_45, %add3A_46 : i32
    %run_scoped3A_48 = arith.constant 0 : i32
    "tpu.region"() ({
      %run_scoped3A_146 = tpu.sem_alloc : memref<!tpu.dma_semaphore, #tpu.memory_space<semaphore_mem>>
      %dma_start3A_147 = arith.constant 0 : i32
      %dma_start3A_148 = arith.constant 0 : i32
      %dma_start3A_149 = tpu.memref_slice %arg10[%run_scoped3A_48, %dma_start3A_147, %dma_start3A_148] : memref<2x64x128xf32, #tpu.memory_space<vmem>> -> memref<1x64x128xf32, #tpu.memory_space<vmem>>
      %dma_start3A_150 = tpu.memref_squeeze %dma_start3A_149 : memref<1x64x128xf32, #tpu.memory_space<vmem>> -> memref<64x128xf32, #tpu.memory_space<vmem>>
      %dma_start3A_151 = arith.constant 0 : i32
      %dma_start3A_152 = tpu.memref_slice %arg7[%add3A_47, %dma_start3A_151] : memref<10240x128xf32, #tpu.memory_space<vmem_shared>> -> memref<64x128xf32, #tpu.memory_space<vmem_shared>>
      %dma_start3A_153 = arith.constant 0 : i32
      %dma_start3A_154 = tpu.memref_slice %arg7[%add3A_47, %dma_start3A_153] : memref<10240x128xf32, #tpu.memory_space<vmem_shared>> -> memref<64x128xf32, #tpu.memory_space<vmem_shared>>
      %dma_start3A_155 = arith.constant 0 : i32
      %dma_start3A_156 = arith.constant 0 : i32
      %dma_start3A_157 = tpu.memref_slice %arg10[%run_scoped3A_48, %dma_start3A_155, %dma_start3A_156] : memref<2x64x128xf32, #tpu.memory_space<vmem>> -> memref<1x64x128xf32, #tpu.memory_space<vmem>>
      %dma_start3A_158 = tpu.memref_squeeze %dma_start3A_157 : memref<1x64x128xf32, #tpu.memory_space<vmem>> -> memref<64x128xf32, #tpu.memory_space<vmem>>
      tpu.enqueue_dma source(%dma_start3A_158 : memref<64x128xf32, #tpu.memory_space<vmem>>) target(%dma_start3A_154 : memref<64x128xf32, #tpu.memory_space<vmem_shared>>) target_semaphore(%run_scoped3A_146 : memref<!tpu.dma_semaphore, #tpu.memory_space<semaphore_mem>>)
      %dma_wait3A = arith.constant 0 : i32
      %dma_wait3A_159 = arith.constant 0 : i32
      %dma_wait3A_160 = tpu.memref_slice %arg10[%run_scoped3A_48, %dma_wait3A, %dma_wait3A_159] : memref<2x64x128xf32, #tpu.memory_space<vmem>> -> memref<1x64x128xf32, #tpu.memory_space<vmem>>
      %dma_wait3A_161 = tpu.memref_squeeze %dma_wait3A_160 : memref<1x64x128xf32, #tpu.memory_space<vmem>> -> memref<64x128xf32, #tpu.memory_space<vmem>>
      %dma_wait3A_162 = arith.constant 0 : i32
      %dma_wait3A_163 = tpu.memref_slice %arg7[%add3A_47, %dma_wait3A_162] : memref<10240x128xf32, #tpu.memory_space<vmem_shared>> -> memref<64x128xf32, #tpu.memory_space<vmem_shared>>
      %dma_wait3A_164 = arith.constant 0 : i32
      %dma_wait3A_165 = tpu.memref_slice %arg7[%add3A_47, %dma_wait3A_164] : memref<10240x128xf32, #tpu.memory_space<vmem_shared>> -> memref<64x128xf32, #tpu.memory_space<vmem_shared>>
      %dma_wait3A_166 = arith.constant 0 : i32
      %dma_wait3A_167 = arith.constant 0 : i32
      %dma_wait3A_168 = tpu.memref_slice %arg10[%run_scoped3A_48, %dma_wait3A_166, %dma_wait3A_167] : memref<2x64x128xf32, #tpu.memory_space<vmem>> -> memref<1x64x128xf32, #tpu.memory_space<vmem>>
      %dma_wait3A_169 = tpu.memref_squeeze %dma_wait3A_168 : memref<1x64x128xf32, #tpu.memory_space<vmem>> -> memref<64x128xf32, #tpu.memory_space<vmem>>
      tpu.wait_dma2 semaphore(%run_scoped3A_146 : memref<!tpu.dma_semaphore, #tpu.memory_space<semaphore_mem>>) src(%dma_wait3A_169 : memref<64x128xf32, #tpu.memory_space<vmem>>) dst(%dma_wait3A_165 : memref<64x128xf32, #tpu.memory_space<vmem_shared>>)
      tpu.yield
    }) : () -> ()
    %mul3A_49 = arith.constant 640 : i32
    %mul3A_50 = arith.muli %arg1, %mul3A_49 : i32
    %add3A_51 = arith.constant 320 : i32
    %add3A_52 = arith.addi %mul3A_50, %add3A_51 : i32
    %run_scoped3A_53 = arith.constant 0 : i32
    "tpu.region"() ({
      %run_scoped3A_146 = tpu.sem_alloc : memref<!tpu.dma_semaphore, #tpu.memory_space<semaphore_mem>>
      %dma_start3A_147 = arith.constant 0 : i32
      %dma_start3A_148 = arith.constant 0 : i32
      %dma_start3A_149 = tpu.memref_slice %arg10[%run_scoped3A_53, %dma_start3A_147, %dma_start3A_148] : memref<2x64x128xf32, #tpu.memory_space<vmem>> -> memref<1x64x128xf32, #tpu.memory_space<vmem>>
      %dma_start3A_150 = tpu.memref_squeeze %dma_start3A_149 : memref<1x64x128xf32, #tpu.memory_space<vmem>> -> memref<64x128xf32, #tpu.memory_space<vmem>>
      %dma_start3A_151 = arith.constant 0 : i32
      %dma_start3A_152 = tpu.memref_slice %arg7[%add3A_52, %dma_start3A_151] : memref<10240x128xf32, #tpu.memory_space<vmem_shared>> -> memref<64x128xf32, #tpu.memory_space<vmem_shared>>
      %dma_start3A_153 = arith.constant 0 : i32
      %dma_start3A_154 = tpu.memref_slice %arg7[%add3A_52, %dma_start3A_153] : memref<10240x128xf32, #tpu.memory_space<vmem_shared>> -> memref<64x128xf32, #tpu.memory_space<vmem_shared>>
      %dma_start3A_155 = arith.constant 0 : i32
      %dma_start3A_156 = arith.constant 0 : i32
      %dma_start3A_157 = tpu.memref_slice %arg10[%run_scoped3A_53, %dma_start3A_155, %dma_start3A_156] : memref<2x64x128xf32, #tpu.memory_space<vmem>> -> memref<1x64x128xf32, #tpu.memory_space<vmem>>
      %dma_start3A_158 = tpu.memref_squeeze %dma_start3A_157 : memref<1x64x128xf32, #tpu.memory_space<vmem>> -> memref<64x128xf32, #tpu.memory_space<vmem>>
      tpu.enqueue_dma source(%dma_start3A_158 : memref<64x128xf32, #tpu.memory_space<vmem>>) target(%dma_start3A_154 : memref<64x128xf32, #tpu.memory_space<vmem_shared>>) target_semaphore(%run_scoped3A_146 : memref<!tpu.dma_semaphore, #tpu.memory_space<semaphore_mem>>)
      %dma_wait3A = arith.constant 0 : i32
      %dma_wait3A_159 = arith.constant 0 : i32
      %dma_wait3A_160 = tpu.memref_slice %arg10[%run_scoped3A_53, %dma_wait3A, %dma_wait3A_159] : memref<2x64x128xf32, #tpu.memory_space<vmem>> -> memref<1x64x128xf32, #tpu.memory_space<vmem>>
      %dma_wait3A_161 = tpu.memref_squeeze %dma_wait3A_160 : memref<1x64x128xf32, #tpu.memory_space<vmem>> -> memref<64x128xf32, #tpu.memory_space<vmem>>
      %dma_wait3A_162 = arith.constant 0 : i32
      %dma_wait3A_163 = tpu.memref_slice %arg7[%add3A_52, %dma_wait3A_162] : memref<10240x128xf32, #tpu.memory_space<vmem_shared>> -> memref<64x128xf32, #tpu.memory_space<vmem_shared>>
      %dma_wait3A_164 = arith.constant 0 : i32
      %dma_wait3A_165 = tpu.memref_slice %arg7[%add3A_52, %dma_wait3A_164] : memref<10240x128xf32, #tpu.memory_space<vmem_shared>> -> memref<64x128xf32, #tpu.memory_space<vmem_shared>>
      %dma_wait3A_166 = arith.constant 0 : i32
      %dma_wait3A_167 = arith.constant 0 : i32
      %dma_wait3A_168 = tpu.memref_slice %arg10[%run_scoped3A_53, %dma_wait3A_166, %dma_wait3A_167] : memref<2x64x128xf32, #tpu.memory_space<vmem>> -> memref<1x64x128xf32, #tpu.memory_space<vmem>>
      %dma_wait3A_169 = tpu.memref_squeeze %dma_wait3A_168 : memref<1x64x128xf32, #tpu.memory_space<vmem>> -> memref<64x128xf32, #tpu.memory_space<vmem>>
      tpu.wait_dma2 semaphore(%run_scoped3A_146 : memref<!tpu.dma_semaphore, #tpu.memory_space<semaphore_mem>>) src(%dma_wait3A_169 : memref<64x128xf32, #tpu.memory_space<vmem>>) dst(%dma_wait3A_165 : memref<64x128xf32, #tpu.memory_space<vmem_shared>>)
      tpu.yield
    }) : () -> ()
    %mul3A_54 = arith.constant 640 : i32
    %mul3A_55 = arith.muli %arg1, %mul3A_54 : i32
    %add3A_56 = arith.constant 384 : i32
    %add3A_57 = arith.addi %mul3A_55, %add3A_56 : i32
    %run_scoped3A_58 = arith.constant 0 : i32
    "tpu.region"() ({
      %run_scoped3A_146 = tpu.sem_alloc : memref<!tpu.dma_semaphore, #tpu.memory_space<semaphore_mem>>
      %dma_start3A_147 = arith.constant 0 : i32
      %dma_start3A_148 = arith.constant 0 : i32
      %dma_start3A_149 = tpu.memref_slice %arg10[%run_scoped3A_58, %dma_start3A_147, %dma_start3A_148] : memref<2x64x128xf32, #tpu.memory_space<vmem>> -> memref<1x64x128xf32, #tpu.memory_space<vmem>>
      %dma_start3A_150 = tpu.memref_squeeze %dma_start3A_149 : memref<1x64x128xf32, #tpu.memory_space<vmem>> -> memref<64x128xf32, #tpu.memory_space<vmem>>
      %dma_start3A_151 = arith.constant 0 : i32
      %dma_start3A_152 = tpu.memref_slice %arg7[%add3A_57, %dma_start3A_151] : memref<10240x128xf32, #tpu.memory_space<vmem_shared>> -> memref<64x128xf32, #tpu.memory_space<vmem_shared>>
      %dma_start3A_153 = arith.constant 0 : i32
      %dma_start3A_154 = tpu.memref_slice %arg7[%add3A_57, %dma_start3A_153] : memref<10240x128xf32, #tpu.memory_space<vmem_shared>> -> memref<64x128xf32, #tpu.memory_space<vmem_shared>>
      %dma_start3A_155 = arith.constant 0 : i32
      %dma_start3A_156 = arith.constant 0 : i32
      %dma_start3A_157 = tpu.memref_slice %arg10[%run_scoped3A_58, %dma_start3A_155, %dma_start3A_156] : memref<2x64x128xf32, #tpu.memory_space<vmem>> -> memref<1x64x128xf32, #tpu.memory_space<vmem>>
      %dma_start3A_158 = tpu.memref_squeeze %dma_start3A_157 : memref<1x64x128xf32, #tpu.memory_space<vmem>> -> memref<64x128xf32, #tpu.memory_space<vmem>>
      tpu.enqueue_dma source(%dma_start3A_158 : memref<64x128xf32, #tpu.memory_space<vmem>>) target(%dma_start3A_154 : memref<64x128xf32, #tpu.memory_space<vmem_shared>>) target_semaphore(%run_scoped3A_146 : memref<!tpu.dma_semaphore, #tpu.memory_space<semaphore_mem>>)
      %dma_wait3A = arith.constant 0 : i32
      %dma_wait3A_159 = arith.constant 0 : i32
      %dma_wait3A_160 = tpu.memref_slice %arg10[%run_scoped3A_58, %dma_wait3A, %dma_wait3A_159] : memref<2x64x128xf32, #tpu.memory_space<vmem>> -> memref<1x64x128xf32, #tpu.memory_space<vmem>>
      %dma_wait3A_161 = tpu.memref_squeeze %dma_wait3A_160 : memref<1x64x128xf32, #tpu.memory_space<vmem>> -> memref<64x128xf32, #tpu.memory_space<vmem>>
      %dma_wait3A_162 = arith.constant 0 : i32
      %dma_wait3A_163 = tpu.memref_slice %arg7[%add3A_57, %dma_wait3A_162] : memref<10240x128xf32, #tpu.memory_space<vmem_shared>> -> memref<64x128xf32, #tpu.memory_space<vmem_shared>>
      %dma_wait3A_164 = arith.constant 0 : i32
      %dma_wait3A_165 = tpu.memref_slice %arg7[%add3A_57, %dma_wait3A_164] : memref<10240x128xf32, #tpu.memory_space<vmem_shared>> -> memref<64x128xf32, #tpu.memory_space<vmem_shared>>
      %dma_wait3A_166 = arith.constant 0 : i32
      %dma_wait3A_167 = arith.constant 0 : i32
      %dma_wait3A_168 = tpu.memref_slice %arg10[%run_scoped3A_58, %dma_wait3A_166, %dma_wait3A_167] : memref<2x64x128xf32, #tpu.memory_space<vmem>> -> memref<1x64x128xf32, #tpu.memory_space<vmem>>
      %dma_wait3A_169 = tpu.memref_squeeze %dma_wait3A_168 : memref<1x64x128xf32, #tpu.memory_space<vmem>> -> memref<64x128xf32, #tpu.memory_space<vmem>>
      tpu.wait_dma2 semaphore(%run_scoped3A_146 : memref<!tpu.dma_semaphore, #tpu.memory_space<semaphore_mem>>) src(%dma_wait3A_169 : memref<64x128xf32, #tpu.memory_space<vmem>>) dst(%dma_wait3A_165 : memref<64x128xf32, #tpu.memory_space<vmem_shared>>)
      tpu.yield
    }) : () -> ()
    %mul3A_59 = arith.constant 640 : i32
    %mul3A_60 = arith.muli %arg1, %mul3A_59 : i32
    %add3A_61 = arith.constant 448 : i32
    %add3A_62 = arith.addi %mul3A_60, %add3A_61 : i32
    %run_scoped3A_63 = arith.constant 0 : i32
    "tpu.region"() ({
      %run_scoped3A_146 = tpu.sem_alloc : memref<!tpu.dma_semaphore, #tpu.memory_space<semaphore_mem>>
      %dma_start3A_147 = arith.constant 0 : i32
      %dma_start3A_148 = arith.constant 0 : i32
      %dma_start3A_149 = tpu.memref_slice %arg10[%run_scoped3A_63, %dma_start3A_147, %dma_start3A_148] : memref<2x64x128xf32, #tpu.memory_space<vmem>> -> memref<1x64x128xf32, #tpu.memory_space<vmem>>
      %dma_start3A_150 = tpu.memref_squeeze %dma_start3A_149 : memref<1x64x128xf32, #tpu.memory_space<vmem>> -> memref<64x128xf32, #tpu.memory_space<vmem>>
      %dma_start3A_151 = arith.constant 0 : i32
      %dma_start3A_152 = tpu.memref_slice %arg7[%add3A_62, %dma_start3A_151] : memref<10240x128xf32, #tpu.memory_space<vmem_shared>> -> memref<64x128xf32, #tpu.memory_space<vmem_shared>>
      %dma_start3A_153 = arith.constant 0 : i32
      %dma_start3A_154 = tpu.memref_slice %arg7[%add3A_62, %dma_start3A_153] : memref<10240x128xf32, #tpu.memory_space<vmem_shared>> -> memref<64x128xf32, #tpu.memory_space<vmem_shared>>
      %dma_start3A_155 = arith.constant 0 : i32
      %dma_start3A_156 = arith.constant 0 : i32
      %dma_start3A_157 = tpu.memref_slice %arg10[%run_scoped3A_63, %dma_start3A_155, %dma_start3A_156] : memref<2x64x128xf32, #tpu.memory_space<vmem>> -> memref<1x64x128xf32, #tpu.memory_space<vmem>>
      %dma_start3A_158 = tpu.memref_squeeze %dma_start3A_157 : memref<1x64x128xf32, #tpu.memory_space<vmem>> -> memref<64x128xf32, #tpu.memory_space<vmem>>
      tpu.enqueue_dma source(%dma_start3A_158 : memref<64x128xf32, #tpu.memory_space<vmem>>) target(%dma_start3A_154 : memref<64x128xf32, #tpu.memory_space<vmem_shared>>) target_semaphore(%run_scoped3A_146 : memref<!tpu.dma_semaphore, #tpu.memory_space<semaphore_mem>>)
      %dma_wait3A = arith.constant 0 : i32
      %dma_wait3A_159 = arith.constant 0 : i32
      %dma_wait3A_160 = tpu.memref_slice %arg10[%run_scoped3A_63, %dma_wait3A, %dma_wait3A_159] : memref<2x64x128xf32, #tpu.memory_space<vmem>> -> memref<1x64x128xf32, #tpu.memory_space<vmem>>
      %dma_wait3A_161 = tpu.memref_squeeze %dma_wait3A_160 : memref<1x64x128xf32, #tpu.memory_space<vmem>> -> memref<64x128xf32, #tpu.memory_space<vmem>>
      %dma_wait3A_162 = arith.constant 0 : i32
      %dma_wait3A_163 = tpu.memref_slice %arg7[%add3A_62, %dma_wait3A_162] : memref<10240x128xf32, #tpu.memory_space<vmem_shared>> -> memref<64x128xf32, #tpu.memory_space<vmem_shared>>
      %dma_wait3A_164 = arith.constant 0 : i32
      %dma_wait3A_165 = tpu.memref_slice %arg7[%add3A_62, %dma_wait3A_164] : memref<10240x128xf32, #tpu.memory_space<vmem_shared>> -> memref<64x128xf32, #tpu.memory_space<vmem_shared>>
      %dma_wait3A_166 = arith.constant 0 : i32
      %dma_wait3A_167 = arith.constant 0 : i32
      %dma_wait3A_168 = tpu.memref_slice %arg10[%run_scoped3A_63, %dma_wait3A_166, %dma_wait3A_167] : memref<2x64x128xf32, #tpu.memory_space<vmem>> -> memref<1x64x128xf32, #tpu.memory_space<vmem>>
      %dma_wait3A_169 = tpu.memref_squeeze %dma_wait3A_168 : memref<1x64x128xf32, #tpu.memory_space<vmem>> -> memref<64x128xf32, #tpu.memory_space<vmem>>
      tpu.wait_dma2 semaphore(%run_scoped3A_146 : memref<!tpu.dma_semaphore, #tpu.memory_space<semaphore_mem>>) src(%dma_wait3A_169 : memref<64x128xf32, #tpu.memory_space<vmem>>) dst(%dma_wait3A_165 : memref<64x128xf32, #tpu.memory_space<vmem_shared>>)
      tpu.yield
    }) : () -> ()
    %mul3A_64 = arith.constant 640 : i32
    %mul3A_65 = arith.muli %arg1, %mul3A_64 : i32
    %add3A_66 = arith.constant 512 : i32
    %add3A_67 = arith.addi %mul3A_65, %add3A_66 : i32
    %run_scoped3A_68 = arith.constant 0 : i32
    "tpu.region"() ({
      %run_scoped3A_146 = tpu.sem_alloc : memref<!tpu.dma_semaphore, #tpu.memory_space<semaphore_mem>>
      %dma_start3A_147 = arith.constant 0 : i32
      %dma_start3A_148 = arith.constant 0 : i32
      %dma_start3A_149 = tpu.memref_slice %arg10[%run_scoped3A_68, %dma_start3A_147, %dma_start3A_148] : memref<2x64x128xf32, #tpu.memory_space<vmem>> -> memref<1x64x128xf32, #tpu.memory_space<vmem>>
      %dma_start3A_150 = tpu.memref_squeeze %dma_start3A_149 : memref<1x64x128xf32, #tpu.memory_space<vmem>> -> memref<64x128xf32, #tpu.memory_space<vmem>>
      %dma_start3A_151 = arith.constant 0 : i32
      %dma_start3A_152 = tpu.memref_slice %arg7[%add3A_67, %dma_start3A_151] : memref<10240x128xf32, #tpu.memory_space<vmem_shared>> -> memref<64x128xf32, #tpu.memory_space<vmem_shared>>
      %dma_start3A_153 = arith.constant 0 : i32
      %dma_start3A_154 = tpu.memref_slice %arg7[%add3A_67, %dma_start3A_153] : memref<10240x128xf32, #tpu.memory_space<vmem_shared>> -> memref<64x128xf32, #tpu.memory_space<vmem_shared>>
      %dma_start3A_155 = arith.constant 0 : i32
      %dma_start3A_156 = arith.constant 0 : i32
      %dma_start3A_157 = tpu.memref_slice %arg10[%run_scoped3A_68, %dma_start3A_155, %dma_start3A_156] : memref<2x64x128xf32, #tpu.memory_space<vmem>> -> memref<1x64x128xf32, #tpu.memory_space<vmem>>
      %dma_start3A_158 = tpu.memref_squeeze %dma_start3A_157 : memref<1x64x128xf32, #tpu.memory_space<vmem>> -> memref<64x128xf32, #tpu.memory_space<vmem>>
      tpu.enqueue_dma source(%dma_start3A_158 : memref<64x128xf32, #tpu.memory_space<vmem>>) target(%dma_start3A_154 : memref<64x128xf32, #tpu.memory_space<vmem_shared>>) target_semaphore(%run_scoped3A_146 : memref<!tpu.dma_semaphore, #tpu.memory_space<semaphore_mem>>)
      %dma_wait3A = arith.constant 0 : i32
      %dma_wait3A_159 = arith.constant 0 : i32
      %dma_wait3A_160 = tpu.memref_slice %arg10[%run_scoped3A_68, %dma_wait3A, %dma_wait3A_159] : memref<2x64x128xf32, #tpu.memory_space<vmem>> -> memref<1x64x128xf32, #tpu.memory_space<vmem>>
      %dma_wait3A_161 = tpu.memref_squeeze %dma_wait3A_160 : memref<1x64x128xf32, #tpu.memory_space<vmem>> -> memref<64x128xf32, #tpu.memory_space<vmem>>
      %dma_wait3A_162 = arith.constant 0 : i32
      %dma_wait3A_163 = tpu.memref_slice %arg7[%add3A_67, %dma_wait3A_162] : memref<10240x128xf32, #tpu.memory_space<vmem_shared>> -> memref<64x128xf32, #tpu.memory_space<vmem_shared>>
      %dma_wait3A_164 = arith.constant 0 : i32
      %dma_wait3A_165 = tpu.memref_slice %arg7[%add3A_67, %dma_wait3A_164] : memref<10240x128xf32, #tpu.memory_space<vmem_shared>> -> memref<64x128xf32, #tpu.memory_space<vmem_shared>>
      %dma_wait3A_166 = arith.constant 0 : i32
      %dma_wait3A_167 = arith.constant 0 : i32
      %dma_wait3A_168 = tpu.memref_slice %arg10[%run_scoped3A_68, %dma_wait3A_166, %dma_wait3A_167] : memref<2x64x128xf32, #tpu.memory_space<vmem>> -> memref<1x64x128xf32, #tpu.memory_space<vmem>>
      %dma_wait3A_169 = tpu.memref_squeeze %dma_wait3A_168 : memref<1x64x128xf32, #tpu.memory_space<vmem>> -> memref<64x128xf32, #tpu.memory_space<vmem>>
      tpu.wait_dma2 semaphore(%run_scoped3A_146 : memref<!tpu.dma_semaphore, #tpu.memory_space<semaphore_mem>>) src(%dma_wait3A_169 : memref<64x128xf32, #tpu.memory_space<vmem>>) dst(%dma_wait3A_165 : memref<64x128xf32, #tpu.memory_space<vmem_shared>>)
      tpu.yield
    }) : () -> ()
    %mul3A_69 = arith.constant 640 : i32
    %mul3A_70 = arith.muli %arg1, %mul3A_69 : i32
    %add3A_71 = arith.constant 576 : i32
    %add3A_72 = arith.addi %mul3A_70, %add3A_71 : i32
    %run_scoped3A_73 = arith.constant 0 : i32
    "tpu.region"() ({
      %run_scoped3A_146 = tpu.sem_alloc : memref<!tpu.dma_semaphore, #tpu.memory_space<semaphore_mem>>
      %dma_start3A_147 = arith.constant 0 : i32
      %dma_start3A_148 = arith.constant 0 : i32
      %dma_start3A_149 = tpu.memref_slice %arg10[%run_scoped3A_73, %dma_start3A_147, %dma_start3A_148] : memref<2x64x128xf32, #tpu.memory_space<vmem>> -> memref<1x64x128xf32, #tpu.memory_space<vmem>>
      %dma_start3A_150 = tpu.memref_squeeze %dma_start3A_149 : memref<1x64x128xf32, #tpu.memory_space<vmem>> -> memref<64x128xf32, #tpu.memory_space<vmem>>
      %dma_start3A_151 = arith.constant 0 : i32
      %dma_start3A_152 = tpu.memref_slice %arg7[%add3A_72, %dma_start3A_151] : memref<10240x128xf32, #tpu.memory_space<vmem_shared>> -> memref<64x128xf32, #tpu.memory_space<vmem_shared>>
      %dma_start3A_153 = arith.constant 0 : i32
      %dma_start3A_154 = tpu.memref_slice %arg7[%add3A_72, %dma_start3A_153] : memref<10240x128xf32, #tpu.memory_space<vmem_shared>> -> memref<64x128xf32, #tpu.memory_space<vmem_shared>>
      %dma_start3A_155 = arith.constant 0 : i32
      %dma_start3A_156 = arith.constant 0 : i32
      %dma_start3A_157 = tpu.memref_slice %arg10[%run_scoped3A_73, %dma_start3A_155, %dma_start3A_156] : memref<2x64x128xf32, #tpu.memory_space<vmem>> -> memref<1x64x128xf32, #tpu.memory_space<vmem>>
      %dma_start3A_158 = tpu.memref_squeeze %dma_start3A_157 : memref<1x64x128xf32, #tpu.memory_space<vmem>> -> memref<64x128xf32, #tpu.memory_space<vmem>>
      tpu.enqueue_dma source(%dma_start3A_158 : memref<64x128xf32, #tpu.memory_space<vmem>>) target(%dma_start3A_154 : memref<64x128xf32, #tpu.memory_space<vmem_shared>>) target_semaphore(%run_scoped3A_146 : memref<!tpu.dma_semaphore, #tpu.memory_space<semaphore_mem>>)
      %dma_wait3A = arith.constant 0 : i32
      %dma_wait3A_159 = arith.constant 0 : i32
      %dma_wait3A_160 = tpu.memref_slice %arg10[%run_scoped3A_73, %dma_wait3A, %dma_wait3A_159] : memref<2x64x128xf32, #tpu.memory_space<vmem>> -> memref<1x64x128xf32, #tpu.memory_space<vmem>>
      %dma_wait3A_161 = tpu.memref_squeeze %dma_wait3A_160 : memref<1x64x128xf32, #tpu.memory_space<vmem>> -> memref<64x128xf32, #tpu.memory_space<vmem>>
      %dma_wait3A_162 = arith.constant 0 : i32
      %dma_wait3A_163 = tpu.memref_slice %arg7[%add3A_72, %dma_wait3A_162] : memref<10240x128xf32, #tpu.memory_space<vmem_shared>> -> memref<64x128xf32, #tpu.memory_space<vmem_shared>>
      %dma_wait3A_164 = arith.constant 0 : i32
      %dma_wait3A_165 = tpu.memref_slice %arg7[%add3A_72, %dma_wait3A_164] : memref<10240x128xf32, #tpu.memory_space<vmem_shared>> -> memref<64x128xf32, #tpu.memory_space<vmem_shared>>
      %dma_wait3A_166 = arith.constant 0 : i32
      %dma_wait3A_167 = arith.constant 0 : i32
      %dma_wait3A_168 = tpu.memref_slice %arg10[%run_scoped3A_73, %dma_wait3A_166, %dma_wait3A_167] : memref<2x64x128xf32, #tpu.memory_space<vmem>> -> memref<1x64x128xf32, #tpu.memory_space<vmem>>
      %dma_wait3A_169 = tpu.memref_squeeze %dma_wait3A_168 : memref<1x64x128xf32, #tpu.memory_space<vmem>> -> memref<64x128xf32, #tpu.memory_space<vmem>>
      tpu.wait_dma2 semaphore(%run_scoped3A_146 : memref<!tpu.dma_semaphore, #tpu.memory_space<semaphore_mem>>) src(%dma_wait3A_169 : memref<64x128xf32, #tpu.memory_space<vmem>>) dst(%dma_wait3A_165 : memref<64x128xf32, #tpu.memory_space<vmem_shared>>)
      tpu.yield
    }) : () -> ()
    %barrier3A = arith.constant 0 : index
    tpu.barrier barrier_id(%barrier3A)
    %dma_start3A = arith.constant 0 : i32
    %dma_start3A_74 = arith.constant 0 : i32
    "tpu.trace_stop"() : () -> ()
    %dma_start3A_75 = arith.constant 0 : i32
    %dma_start3A_76 = arith.constant 0 : i32
    %dma_start3A_77 = tpu.memref_slice %arg10[%dma_start3A, %dma_start3A_75, %dma_start3A_76] : memref<2x64x128xf32, #tpu.memory_space<vmem>> -> memref<1x64x128xf32, #tpu.memory_space<vmem>>
    %dma_start3A_78 = tpu.memref_squeeze %dma_start3A_77 : memref<1x64x128xf32, #tpu.memory_space<vmem>> -> memref<64x128xf32, #tpu.memory_space<vmem>>
    %dma_start3A_79 = arith.constant 0 : i32
    %dma_start3A_80 = tpu.memref_slice %arg8[%dma_start3A_79] : memref<10240xi32, #tpu.memory_space<vmem>> -> memref<64xi32, #tpu.memory_space<vmem>>
    %dma_start3A_81 = arith.constant 0 : i32
    %dma_start3A_82 = arith.constant 0 : i32
    %dma_start3A_83 = tpu.memref_slice %arg2[%dma_start3A_81, %dma_start3A_82] : memref<10000x128xf32, #tpu.memory_space<hbm>> -> memref<10000x128xf32, #tpu.memory_space<hbm>>
    %dma_start3A_84 = tpu.memref_slice %arg12[%dma_start3A_74] : memref<2x!tpu.dma_semaphore, #tpu.memory_space<semaphore_mem>> -> memref<1x!tpu.dma_semaphore, #tpu.memory_space<semaphore_mem>>
    %dma_start3A_85 = tpu.memref_squeeze %dma_start3A_84 : memref<1x!tpu.dma_semaphore, #tpu.memory_space<semaphore_mem>> -> memref<!tpu.dma_semaphore, #tpu.memory_space<semaphore_mem>>
    tpu.enqueue_indirect_dma source(%dma_start3A_83 : memref<10000x128xf32, #tpu.memory_space<hbm>>) target(%dma_start3A_78 : memref<64x128xf32, #tpu.memory_space<vmem>>) offsets(%dma_start3A_80 : memref<64xi32, #tpu.memory_space<vmem>>) semaphore(%dma_start3A_85 : memref<!tpu.dma_semaphore, #tpu.memory_space<semaphore_mem>>)
    %dma_start3A_86 = arith.constant 1 : i32
    %dma_start3A_87 = arith.constant 1 : i32
    %dma_start3A_88 = arith.constant 0 : i32
    %dma_start3A_89 = arith.constant 0 : i32
    %dma_start3A_90 = tpu.memref_slice %arg10[%dma_start3A_86, %dma_start3A_88, %dma_start3A_89] : memref<2x64x128xf32, #tpu.memory_space<vmem>> -> memref<1x64x128xf32, #tpu.memory_space<vmem>>
    %dma_start3A_91 = tpu.memref_squeeze %dma_start3A_90 : memref<1x64x128xf32, #tpu.memory_space<vmem>> -> memref<64x128xf32, #tpu.memory_space<vmem>>
    %dma_start3A_92 = arith.constant 64 : i32
    %dma_start3A_93 = tpu.memref_slice %arg8[%dma_start3A_92] : memref<10240xi32, #tpu.memory_space<vmem>> -> memref<64xi32, #tpu.memory_space<vmem>>
    %dma_start3A_94 = arith.constant 0 : i32
    %dma_start3A_95 = arith.constant 0 : i32
    %dma_start3A_96 = tpu.memref_slice %arg2[%dma_start3A_94, %dma_start3A_95] : memref<10000x128xf32, #tpu.memory_space<hbm>> -> memref<10000x128xf32, #tpu.memory_space<hbm>>
    %dma_start3A_97 = tpu.memref_slice %arg12[%dma_start3A_87] : memref<2x!tpu.dma_semaphore, #tpu.memory_space<semaphore_mem>> -> memref<1x!tpu.dma_semaphore, #tpu.memory_space<semaphore_mem>>
    %dma_start3A_98 = tpu.memref_squeeze %dma_start3A_97 : memref<1x!tpu.dma_semaphore, #tpu.memory_space<semaphore_mem>> -> memref<!tpu.dma_semaphore, #tpu.memory_space<semaphore_mem>>
    tpu.enqueue_indirect_dma source(%dma_start3A_96 : memref<10000x128xf32, #tpu.memory_space<hbm>>) target(%dma_start3A_91 : memref<64x128xf32, #tpu.memory_space<vmem>>) offsets(%dma_start3A_93 : memref<64xi32, #tpu.memory_space<vmem>>) semaphore(%dma_start3A_98 : memref<!tpu.dma_semaphore, #tpu.memory_space<semaphore_mem>>)
    "tpu.trace_start"() <{level = 10 : i32, message = "main_loop"}> : () -> ()
    %scan3A_99 = arith.constant 0 : i32
    %scan3A_100 = arith.constant 0 : i32
    %scan3A_101 = arith.constant 80 : i32
    %scan3A_102 = arith.addi %scan3A_100, %scan3A_101 : i32
    %scan3A_103 = arith.constant 1 : i32
    scf.for %scan3A_146 = %scan3A_100 to %scan3A_102 step %scan3A_103  : i32 {
      %mul3A_147 = arith.constant 2 : i32
      %mul3A_148 = arith.muli %scan3A_146, %mul3A_147 : i32
      %add3A_149 = arith.constant 0 : i32
      %add3A_150 = arith.addi %mul3A_148, %add3A_149 : i32
      %mul3A_151 = arith.constant 64 : i32
      %mul3A_152 = arith.muli %add3A_150, %mul3A_151 : i32
      %dma_wait3A = arith.constant 0 : i32
      %dma_wait3A_153 = arith.constant 0 : i32
      %dma_wait3A_154 = arith.constant 0 : i32
      %dma_wait3A_155 = arith.constant 0 : i32
      %dma_wait3A_156 = tpu.memref_slice %arg10[%dma_wait3A, %dma_wait3A_154, %dma_wait3A_155] : memref<2x64x128xf32, #tpu.memory_space<vmem>> -> memref<1x64x128xf32, #tpu.memory_space<vmem>>
      %dma_wait3A_157 = tpu.memref_squeeze %dma_wait3A_156 : memref<1x64x128xf32, #tpu.memory_space<vmem>> -> memref<64x128xf32, #tpu.memory_space<vmem>>
      %dma_wait3A_158 = tpu.memref_slice %arg8[%mul3A_152] : memref<10240xi32, #tpu.memory_space<vmem>> -> memref<64xi32, #tpu.memory_space<vmem>>
      %dma_wait3A_159 = arith.constant 0 : i32
      %dma_wait3A_160 = arith.constant 0 : i32
      %dma_wait3A_161 = tpu.memref_slice %arg2[%dma_wait3A_159, %dma_wait3A_160] : memref<10000x128xf32, #tpu.memory_space<hbm>> -> memref<10000x128xf32, #tpu.memory_space<hbm>>
      %dma_wait3A_162 = tpu.memref_slice %arg12[%dma_wait3A_153] : memref<2x!tpu.dma_semaphore, #tpu.memory_space<semaphore_mem>> -> memref<1x!tpu.dma_semaphore, #tpu.memory_space<semaphore_mem>>
      %dma_wait3A_163 = tpu.memref_squeeze %dma_wait3A_162 : memref<1x!tpu.dma_semaphore, #tpu.memory_space<semaphore_mem>> -> memref<!tpu.dma_semaphore, #tpu.memory_space<semaphore_mem>>
      tpu.wait_indirect_dma semaphore(%dma_wait3A_163 : memref<!tpu.dma_semaphore, #tpu.memory_space<semaphore_mem>>) src(%dma_wait3A_161 : memref<10000x128xf32, #tpu.memory_space<hbm>>) dst(%dma_wait3A_157 : memref<64x128xf32, #tpu.memory_space<vmem>>)
      %mul3A_164 = arith.constant 64 : i32
      %mul3A_165 = arith.muli %add3A_150, %mul3A_164 : i32
      %dma_start3A_166 = arith.constant 0 : i32
      %dma_start3A_167 = arith.constant 0 : i32
      %dma_start3A_168 = arith.constant 0 : i32
      %dma_start3A_169 = arith.constant 0 : i32
      %dma_start3A_170 = tpu.memref_slice %arg10[%dma_start3A_166, %dma_start3A_168, %dma_start3A_169] : memref<2x64x128xf32, #tpu.memory_space<vmem>> -> memref<1x64x128xf32, #tpu.memory_space<vmem>>
      %dma_start3A_171 = tpu.memref_squeeze %dma_start3A_170 : memref<1x64x128xf32, #tpu.memory_space<vmem>> -> memref<64x128xf32, #tpu.memory_space<vmem>>
      %dma_start3A_172 = tpu.memref_slice %arg9[%mul3A_165] : memref<10240xi32, #tpu.memory_space<vmem>> -> memref<64xi32, #tpu.memory_space<vmem>>
      %dma_start3A_173 = arith.constant 0 : i32
      %dma_start3A_174 = arith.constant 0 : i32
      %dma_start3A_175 = tpu.memref_slice %arg7[%dma_start3A_173, %dma_start3A_174] : memref<10240x128xf32, #tpu.memory_space<vmem_shared>> -> memref<10240x128xf32, #tpu.memory_space<vmem_shared>>
      %dma_start3A_176 = tpu.memref_slice %arg13[%dma_start3A_167] : memref<2x!tpu.dma_semaphore, #tpu.memory_space<semaphore_mem>> -> memref<1x!tpu.dma_semaphore, #tpu.memory_space<semaphore_mem>>
      %dma_start3A_177 = tpu.memref_squeeze %dma_start3A_176 : memref<1x!tpu.dma_semaphore, #tpu.memory_space<semaphore_mem>> -> memref<!tpu.dma_semaphore, #tpu.memory_space<semaphore_mem>>
      tpu.enqueue_indirect_dma source(%dma_start3A_171 : memref<64x128xf32, #tpu.memory_space<vmem>>) target(%dma_start3A_175 : memref<10240x128xf32, #tpu.memory_space<vmem_shared>>) offsets(%dma_start3A_172 : memref<64xi32, #tpu.memory_space<vmem>>) semaphore(%dma_start3A_177 : memref<!tpu.dma_semaphore, #tpu.memory_space<semaphore_mem>>) {add = true}
      %mul3A_178 = arith.constant 64 : i32
      %mul3A_179 = arith.muli %add3A_150, %mul3A_178 : i32
      %add3A_180 = arith.constant 0 : i32
      %add3A_181 = arith.addi %mul3A_179, %add3A_180 : i32
      %get3A = arith.index_cast %add3A_181 : i32 to index
      %get3A_182 = tpu.vector_load %arg9[%get3A] {strides = array<i32>} : memref<10240xi32, #tpu.memory_space<vmem>>, vector<16xi32>,
      tpu.vector_store_idx %arg11[%get3A_182], %broadcast_in_dim3A_3 {add = true} : memref<10240xf32, #tpu.memory_space<vmem>>[vector<16xi32>], vector<16xf32>,
      %mul3A_183 = arith.constant 64 : i32
      %mul3A_184 = arith.muli %add3A_150, %mul3A_183 : i32
      %add3A_185 = arith.constant 16 : i32
      %add3A_186 = arith.addi %mul3A_184, %add3A_185 : i32
      %get3A_187 = arith.index_cast %add3A_186 : i32 to index
      %get3A_188 = tpu.vector_load %arg9[%get3A_187] {strides = array<i32>} : memref<10240xi32, #tpu.memory_space<vmem>>, vector<16xi32>,
      tpu.vector_store_idx %arg11[%get3A_188], %broadcast_in_dim3A_3 {add = true} : memref<10240xf32, #tpu.memory_space<vmem>>[vector<16xi32>], vector<16xf32>,
      %mul3A_189 = arith.constant 64 : i32
      %mul3A_190 = arith.muli %add3A_150, %mul3A_189 : i32
      %add3A_191 = arith.constant 32 : i32
      %add3A_192 = arith.addi %mul3A_190, %add3A_191 : i32
      %get3A_193 = arith.index_cast %add3A_192 : i32 to index
      %get3A_194 = tpu.vector_load %arg9[%get3A_193] {strides = array<i32>} : memref<10240xi32, #tpu.memory_space<vmem>>, vector<16xi32>,
      tpu.vector_store_idx %arg11[%get3A_194], %broadcast_in_dim3A_3 {add = true} : memref<10240xf32, #tpu.memory_space<vmem>>[vector<16xi32>], vector<16xf32>,
      %mul3A_195 = arith.constant 64 : i32
      %mul3A_196 = arith.muli %add3A_150, %mul3A_195 : i32
      %add3A_197 = arith.constant 48 : i32
      %add3A_198 = arith.addi %mul3A_196, %add3A_197 : i32
      %get3A_199 = arith.index_cast %add3A_198 : i32 to index
      %get3A_200 = tpu.vector_load %arg9[%get3A_199] {strides = array<i32>} : memref<10240xi32, #tpu.memory_space<vmem>>, vector<16xi32>,
      tpu.vector_store_idx %arg11[%get3A_200], %broadcast_in_dim3A_3 {add = true} : memref<10240xf32, #tpu.memory_space<vmem>>[vector<16xi32>], vector<16xf32>,
      %dma_wait3A_201 = arith.constant 0 : i32
      %dma_wait3A_202 = arith.constant 0 : i32
      %dma_wait3A_203 = arith.constant 0 : i32
      %dma_wait3A_204 = arith.constant 0 : i32
      %dma_wait3A_205 = tpu.memref_slice %arg10[%dma_wait3A_201, %dma_wait3A_203, %dma_wait3A_204] : memref<2x64x128xf32, #tpu.memory_space<vmem>> -> memref<1x64x128xf32, #tpu.memory_space<vmem>>
      %dma_wait3A_206 = tpu.memref_squeeze %dma_wait3A_205 : memref<1x64x128xf32, #tpu.memory_space<vmem>> -> memref<64x128xf32, #tpu.memory_space<vmem>>
      %dma_wait3A_207 = tpu.memref_slice %arg9[%mul3A_165] : memref<10240xi32, #tpu.memory_space<vmem>> -> memref<64xi32, #tpu.memory_space<vmem>>
      %dma_wait3A_208 = arith.constant 0 : i32
      %dma_wait3A_209 = arith.constant 0 : i32
      %dma_wait3A_210 = tpu.memref_slice %arg7[%dma_wait3A_208, %dma_wait3A_209] : memref<10240x128xf32, #tpu.memory_space<vmem_shared>> -> memref<10240x128xf32, #tpu.memory_space<vmem_shared>>
      %dma_wait3A_211 = tpu.memref_slice %arg13[%dma_wait3A_202] : memref<2x!tpu.dma_semaphore, #tpu.memory_space<semaphore_mem>> -> memref<1x!tpu.dma_semaphore, #tpu.memory_space<semaphore_mem>>
      %dma_wait3A_212 = tpu.memref_squeeze %dma_wait3A_211 : memref<1x!tpu.dma_semaphore, #tpu.memory_space<semaphore_mem>> -> memref<!tpu.dma_semaphore, #tpu.memory_space<semaphore_mem>>
      tpu.wait_indirect_dma semaphore(%dma_wait3A_212 : memref<!tpu.dma_semaphore, #tpu.memory_space<semaphore_mem>>) src(%dma_wait3A_206 : memref<64x128xf32, #tpu.memory_space<vmem>>) dst(%dma_wait3A_210 : memref<10240x128xf32, #tpu.memory_space<vmem_shared>>)
      %lt3A = arith.constant 158 : i32
      %lt3A_213 = arith.cmpi slt, %add3A_150, %lt3A : i32
      %convert_element_type3A = arith.extui %lt3A_213 : i1 to i32
      %cond3A = arith.constant 0 : i32
      %cond3A_214 = arith.cmpi ne, %convert_element_type3A, %cond3A : i32
      scf.if %cond3A_214 {
        %add3A_288 = arith.constant 2 : i32
        %add3A_289 = arith.addi %add3A_150, %add3A_288 : i32
        %mul3A_290 = arith.constant 64 : i32
        %mul3A_291 = arith.muli %add3A_289, %mul3A_290 : i32
        %dma_start3A_292 = arith.constant 0 : i32
        %dma_start3A_293 = arith.constant 0 : i32
        %dma_start3A_294 = arith.constant 0 : i32
        %dma_start3A_295 = arith.constant 0 : i32
        %dma_start3A_296 = tpu.memref_slice %arg10[%dma_start3A_292, %dma_start3A_294, %dma_start3A_295] : memref<2x64x128xf32, #tpu.memory_space<vmem>> -> memref<1x64x128xf32, #tpu.memory_space<vmem>>
        %dma_start3A_297 = tpu.memref_squeeze %dma_start3A_296 : memref<1x64x128xf32, #tpu.memory_space<vmem>> -> memref<64x128xf32, #tpu.memory_space<vmem>>
        %dma_start3A_298 = tpu.memref_slice %arg8[%mul3A_291] : memref<10240xi32, #tpu.memory_space<vmem>> -> memref<64xi32, #tpu.memory_space<vmem>>
        %dma_start3A_299 = arith.constant 0 : i32
        %dma_start3A_300 = arith.constant 0 : i32
        %dma_start3A_301 = tpu.memref_slice %arg2[%dma_start3A_299, %dma_start3A_300] : memref<10000x128xf32, #tpu.memory_space<hbm>> -> memref<10000x128xf32, #tpu.memory_space<hbm>>
        %dma_start3A_302 = tpu.memref_slice %arg12[%dma_start3A_293] : memref<2x!tpu.dma_semaphore, #tpu.memory_space<semaphore_mem>> -> memref<1x!tpu.dma_semaphore, #tpu.memory_space<semaphore_mem>>
        %dma_start3A_303 = tpu.memref_squeeze %dma_start3A_302 : memref<1x!tpu.dma_semaphore, #tpu.memory_space<semaphore_mem>> -> memref<!tpu.dma_semaphore, #tpu.memory_space<semaphore_mem>>
        tpu.enqueue_indirect_dma source(%dma_start3A_301 : memref<10000x128xf32, #tpu.memory_space<hbm>>) target(%dma_start3A_297 : memref<64x128xf32, #tpu.memory_space<vmem>>) offsets(%dma_start3A_298 : memref<64xi32, #tpu.memory_space<vmem>>) semaphore(%dma_start3A_303 : memref<!tpu.dma_semaphore, #tpu.memory_space<semaphore_mem>>)
      } else {
      }
      %mul3A_215 = arith.constant 2 : i32
      %mul3A_216 = arith.muli %scan3A_146, %mul3A_215 : i32
      %add3A_217 = arith.constant 1 : i32
      %add3A_218 = arith.addi %mul3A_216, %add3A_217 : i32
      %mul3A_219 = arith.constant 64 : i32
      %mul3A_220 = arith.muli %add3A_218, %mul3A_219 : i32
      %dma_wait3A_221 = arith.constant 1 : i32
      %dma_wait3A_222 = arith.constant 1 : i32
      %dma_wait3A_223 = arith.constant 0 : i32
      %dma_wait3A_224 = arith.constant 0 : i32
      %dma_wait3A_225 = tpu.memref_slice %arg10[%dma_wait3A_221, %dma_wait3A_223, %dma_wait3A_224] : memref<2x64x128xf32, #tpu.memory_space<vmem>> -> memref<1x64x128xf32, #tpu.memory_space<vmem>>
      %dma_wait3A_226 = tpu.memref_squeeze %dma_wait3A_225 : memref<1x64x128xf32, #tpu.memory_space<vmem>> -> memref<64x128xf32, #tpu.memory_space<vmem>>
      %dma_wait3A_227 = tpu.memref_slice %arg8[%mul3A_220] : memref<10240xi32, #tpu.memory_space<vmem>> -> memref<64xi32, #tpu.memory_space<vmem>>
      %dma_wait3A_228 = arith.constant 0 : i32
      %dma_wait3A_229 = arith.constant 0 : i32
      %dma_wait3A_230 = tpu.memref_slice %arg2[%dma_wait3A_228, %dma_wait3A_229] : memref<10000x128xf32, #tpu.memory_space<hbm>> -> memref<10000x128xf32, #tpu.memory_space<hbm>>
      %dma_wait3A_231 = tpu.memref_slice %arg12[%dma_wait3A_222] : memref<2x!tpu.dma_semaphore, #tpu.memory_space<semaphore_mem>> -> memref<1x!tpu.dma_semaphore, #tpu.memory_space<semaphore_mem>>
      %dma_wait3A_232 = tpu.memref_squeeze %dma_wait3A_231 : memref<1x!tpu.dma_semaphore, #tpu.memory_space<semaphore_mem>> -> memref<!tpu.dma_semaphore, #tpu.memory_space<semaphore_mem>>
      tpu.wait_indirect_dma semaphore(%dma_wait3A_232 : memref<!tpu.dma_semaphore, #tpu.memory_space<semaphore_mem>>) src(%dma_wait3A_230 : memref<10000x128xf32, #tpu.memory_space<hbm>>) dst(%dma_wait3A_226 : memref<64x128xf32, #tpu.memory_space<vmem>>)
      %mul3A_233 = arith.constant 64 : i32
      %mul3A_234 = arith.muli %add3A_218, %mul3A_233 : i32
      %dma_start3A_235 = arith.constant 1 : i32
      %dma_start3A_236 = arith.constant 1 : i32
      %dma_start3A_237 = arith.constant 0 : i32
      %dma_start3A_238 = arith.constant 0 : i32
      %dma_start3A_239 = tpu.memref_slice %arg10[%dma_start3A_235, %dma_start3A_237, %dma_start3A_238] : memref<2x64x128xf32, #tpu.memory_space<vmem>> -> memref<1x64x128xf32, #tpu.memory_space<vmem>>
      %dma_start3A_240 = tpu.memref_squeeze %dma_start3A_239 : memref<1x64x128xf32, #tpu.memory_space<vmem>> -> memref<64x128xf32, #tpu.memory_space<vmem>>
      %dma_start3A_241 = tpu.memref_slice %arg9[%mul3A_234] : memref<10240xi32, #tpu.memory_space<vmem>> -> memref<64xi32, #tpu.memory_space<vmem>>
      %dma_start3A_242 = arith.constant 0 : i32
      %dma_start3A_243 = arith.constant 0 : i32
      %dma_start3A_244 = tpu.memref_slice %arg7[%dma_start3A_242, %dma_start3A_243] : memref<10240x128xf32, #tpu.memory_space<vmem_shared>> -> memref<10240x128xf32, #tpu.memory_space<vmem_shared>>
      %dma_start3A_245 = tpu.memref_slice %arg13[%dma_start3A_236] : memref<2x!tpu.dma_semaphore, #tpu.memory_space<semaphore_mem>> -> memref<1x!tpu.dma_semaphore, #tpu.memory_space<semaphore_mem>>
      %dma_start3A_246 = tpu.memref_squeeze %dma_start3A_245 : memref<1x!tpu.dma_semaphore, #tpu.memory_space<semaphore_mem>> -> memref<!tpu.dma_semaphore, #tpu.memory_space<semaphore_mem>>
      tpu.enqueue_indirect_dma source(%dma_start3A_240 : memref<64x128xf32, #tpu.memory_space<vmem>>) target(%dma_start3A_244 : memref<10240x128xf32, #tpu.memory_space<vmem_shared>>) offsets(%dma_start3A_241 : memref<64xi32, #tpu.memory_space<vmem>>) semaphore(%dma_start3A_246 : memref<!tpu.dma_semaphore, #tpu.memory_space<semaphore_mem>>) {add = true}
      %mul3A_247 = arith.constant 64 : i32
      %mul3A_248 = arith.muli %add3A_218, %mul3A_247 : i32
      %add3A_249 = arith.constant 0 : i32
      %add3A_250 = arith.addi %mul3A_248, %add3A_249 : i32
      %get3A_251 = arith.index_cast %add3A_250 : i32 to index
      %get3A_252 = tpu.vector_load %arg9[%get3A_251] {strides = array<i32>} : memref<10240xi32, #tpu.memory_space<vmem>>, vector<16xi32>,
      tpu.vector_store_idx %arg11[%get3A_252], %broadcast_in_dim3A_3 {add = true} : memref<10240xf32, #tpu.memory_space<vmem>>[vector<16xi32>], vector<16xf32>,
      %mul3A_253 = arith.constant 64 : i32
      %mul3A_254 = arith.muli %add3A_218, %mul3A_253 : i32
      %add3A_255 = arith.constant 16 : i32
      %add3A_256 = arith.addi %mul3A_254, %add3A_255 : i32
      %get3A_257 = arith.index_cast %add3A_256 : i32 to index
      %get3A_258 = tpu.vector_load %arg9[%get3A_257] {strides = array<i32>} : memref<10240xi32, #tpu.memory_space<vmem>>, vector<16xi32>,
      tpu.vector_store_idx %arg11[%get3A_258], %broadcast_in_dim3A_3 {add = true} : memref<10240xf32, #tpu.memory_space<vmem>>[vector<16xi32>], vector<16xf32>,
      %mul3A_259 = arith.constant 64 : i32
      %mul3A_260 = arith.muli %add3A_218, %mul3A_259 : i32
      %add3A_261 = arith.constant 32 : i32
      %add3A_262 = arith.addi %mul3A_260, %add3A_261 : i32
      %get3A_263 = arith.index_cast %add3A_262 : i32 to index
      %get3A_264 = tpu.vector_load %arg9[%get3A_263] {strides = array<i32>} : memref<10240xi32, #tpu.memory_space<vmem>>, vector<16xi32>,
      tpu.vector_store_idx %arg11[%get3A_264], %broadcast_in_dim3A_3 {add = true} : memref<10240xf32, #tpu.memory_space<vmem>>[vector<16xi32>], vector<16xf32>,
      %mul3A_265 = arith.constant 64 : i32
      %mul3A_266 = arith.muli %add3A_218, %mul3A_265 : i32
      %add3A_267 = arith.constant 48 : i32
      %add3A_268 = arith.addi %mul3A_266, %add3A_267 : i32
      %get3A_269 = arith.index_cast %add3A_268 : i32 to index
      %get3A_270 = tpu.vector_load %arg9[%get3A_269] {strides = array<i32>} : memref<10240xi32, #tpu.memory_space<vmem>>, vector<16xi32>,
      tpu.vector_store_idx %arg11[%get3A_270], %broadcast_in_dim3A_3 {add = true} : memref<10240xf32, #tpu.memory_space<vmem>>[vector<16xi32>], vector<16xf32>,
      %dma_wait3A_271 = arith.constant 1 : i32
      %dma_wait3A_272 = arith.constant 1 : i32
      %dma_wait3A_273 = arith.constant 0 : i32
      %dma_wait3A_274 = arith.constant 0 : i32
      %dma_wait3A_275 = tpu.memref_slice %arg10[%dma_wait3A_271, %dma_wait3A_273, %dma_wait3A_274] : memref<2x64x128xf32, #tpu.memory_space<vmem>> -> memref<1x64x128xf32, #tpu.memory_space<vmem>>
      %dma_wait3A_276 = tpu.memref_squeeze %dma_wait3A_275 : memref<1x64x128xf32, #tpu.memory_space<vmem>> -> memref<64x128xf32, #tpu.memory_space<vmem>>
      %dma_wait3A_277 = tpu.memref_slice %arg9[%mul3A_234] : memref<10240xi32, #tpu.memory_space<vmem>> -> memref<64xi32, #tpu.memory_space<vmem>>
      %dma_wait3A_278 = arith.constant 0 : i32
      %dma_wait3A_279 = arith.constant 0 : i32
      %dma_wait3A_280 = tpu.memref_slice %arg7[%dma_wait3A_278, %dma_wait3A_279] : memref<10240x128xf32, #tpu.memory_space<vmem_shared>> -> memref<10240x128xf32, #tpu.memory_space<vmem_shared>>
      %dma_wait3A_281 = tpu.memref_slice %arg13[%dma_wait3A_272] : memref<2x!tpu.dma_semaphore, #tpu.memory_space<semaphore_mem>> -> memref<1x!tpu.dma_semaphore, #tpu.memory_space<semaphore_mem>>
      %dma_wait3A_282 = tpu.memref_squeeze %dma_wait3A_281 : memref<1x!tpu.dma_semaphore, #tpu.memory_space<semaphore_mem>> -> memref<!tpu.dma_semaphore, #tpu.memory_space<semaphore_mem>>
      tpu.wait_indirect_dma semaphore(%dma_wait3A_282 : memref<!tpu.dma_semaphore, #tpu.memory_space<semaphore_mem>>) src(%dma_wait3A_276 : memref<64x128xf32, #tpu.memory_space<vmem>>) dst(%dma_wait3A_280 : memref<10240x128xf32, #tpu.memory_space<vmem_shared>>)
      %lt3A_283 = arith.constant 158 : i32
      %lt3A_284 = arith.cmpi slt, %add3A_218, %lt3A_283 : i32
      %convert_element_type3A_285 = arith.extui %lt3A_284 : i1 to i32
      %cond3A_286 = arith.constant 0 : i32
      %cond3A_287 = arith.cmpi ne, %convert_element_type3A_285, %cond3A_286 : i32
      scf.if %cond3A_287 {
        %add3A_288 = arith.constant 2 : i32
        %add3A_289 = arith.addi %add3A_218, %add3A_288 : i32
        %mul3A_290 = arith.constant 64 : i32
        %mul3A_291 = arith.muli %add3A_289, %mul3A_290 : i32
        %dma_start3A_292 = arith.constant 1 : i32
        %dma_start3A_293 = arith.constant 1 : i32
        %dma_start3A_294 = arith.constant 0 : i32
        %dma_start3A_295 = arith.constant 0 : i32
        %dma_start3A_296 = tpu.memref_slice %arg10[%dma_start3A_292, %dma_start3A_294, %dma_start3A_295] : memref<2x64x128xf32, #tpu.memory_space<vmem>> -> memref<1x64x128xf32, #tpu.memory_space<vmem>>
        %dma_start3A_297 = tpu.memref_squeeze %dma_start3A_296 : memref<1x64x128xf32, #tpu.memory_space<vmem>> -> memref<64x128xf32, #tpu.memory_space<vmem>>
        %dma_start3A_298 = tpu.memref_slice %arg8[%mul3A_291] : memref<10240xi32, #tpu.memory_space<vmem>> -> memref<64xi32, #tpu.memory_space<vmem>>
        %dma_start3A_299 = arith.constant 0 : i32
        %dma_start3A_300 = arith.constant 0 : i32
        %dma_start3A_301 = tpu.memref_slice %arg2[%dma_start3A_299, %dma_start3A_300] : memref<10000x128xf32, #tpu.memory_space<hbm>> -> memref<10000x128xf32, #tpu.memory_space<hbm>>
        %dma_start3A_302 = tpu.memref_slice %arg12[%dma_start3A_293] : memref<2x!tpu.dma_semaphore, #tpu.memory_space<semaphore_mem>> -> memref<1x!tpu.dma_semaphore, #tpu.memory_space<semaphore_mem>>
        %dma_start3A_303 = tpu.memref_squeeze %dma_start3A_302 : memref<1x!tpu.dma_semaphore, #tpu.memory_space<semaphore_mem>> -> memref<!tpu.dma_semaphore, #tpu.memory_space<semaphore_mem>>
        tpu.enqueue_indirect_dma source(%dma_start3A_301 : memref<10000x128xf32, #tpu.memory_space<hbm>>) target(%dma_start3A_297 : memref<64x128xf32, #tpu.memory_space<vmem>>) offsets(%dma_start3A_298 : memref<64xi32, #tpu.memory_space<vmem>>) semaphore(%dma_start3A_303 : memref<!tpu.dma_semaphore, #tpu.memory_space<semaphore_mem>>)
      } else {
      }
    }
    %scan3A_104 = arith.constant 80 : i32
    %barrier3A_105 = arith.constant 0 : index
    tpu.barrier barrier_id(%barrier3A_105)
    "tpu.trace_stop"() : () -> ()
    "tpu.trace_start"() <{level = 10 : i32, message = "writeout"}> : () -> ()
    %mul3A_106 = arith.constant 640 : i32
    %mul3A_107 = arith.muli %arg1, %mul3A_106 : i32
    %add3A_108 = arith.constant 0 : i32
    %add3A_109 = arith.addi %mul3A_107, %add3A_108 : i32
    "tpu.region"() ({
      %run_scoped3A_146 = tpu.sem_alloc : memref<!tpu.dma_semaphore, #tpu.memory_space<semaphore_mem>>
      %dma_start3A_147 = arith.constant 0 : i32
      %dma_start3A_148 = tpu.memref_slice %arg5[%arg0, %add3A_109, %dma_start3A_147] : memref<2x10240x128xf32, #tpu.memory_space<hbm>> -> memref<1x64x128xf32, #tpu.memory_space<hbm>>
      %dma_start3A_149 = tpu.memref_squeeze %dma_start3A_148 : memref<1x64x128xf32, #tpu.memory_space<hbm>> -> memref<64x128xf32, #tpu.memory_space<hbm>>
      %dma_start3A_150 = arith.constant 0 : i32
      %dma_start3A_151 = tpu.memref_slice %arg7[%add3A_109, %dma_start3A_150] : memref<10240x128xf32, #tpu.memory_space<vmem_shared>> -> memref<64x128xf32, #tpu.memory_space<vmem_shared>>
      tpu.enqueue_dma source(%dma_start3A_151 : memref<64x128xf32, #tpu.memory_space<vmem_shared>>) target(%dma_start3A_149 : memref<64x128xf32, #tpu.memory_space<hbm>>) target_semaphore(%run_scoped3A_146 : memref<!tpu.dma_semaphore, #tpu.memory_space<semaphore_mem>>)
      %dma_wait3A = arith.constant 0 : i32
      %dma_wait3A_152 = tpu.memref_slice %arg5[%arg0, %add3A_109, %dma_wait3A] : memref<2x10240x128xf32, #tpu.memory_space<hbm>> -> memref<1x64x128xf32, #tpu.memory_space<hbm>>
      %dma_wait3A_153 = tpu.memref_squeeze %dma_wait3A_152 : memref<1x64x128xf32, #tpu.memory_space<hbm>> -> memref<64x128xf32, #tpu.memory_space<hbm>>
      %dma_wait3A_154 = arith.constant 0 : i32
      %dma_wait3A_155 = tpu.memref_slice %arg7[%add3A_109, %dma_wait3A_154] : memref<10240x128xf32, #tpu.memory_space<vmem_shared>> -> memref<64x128xf32, #tpu.memory_space<vmem_shared>>
      tpu.wait_dma2 semaphore(%run_scoped3A_146 : memref<!tpu.dma_semaphore, #tpu.memory_space<semaphore_mem>>) src(%dma_wait3A_155 : memref<64x128xf32, #tpu.memory_space<vmem_shared>>) dst(%dma_wait3A_153 : memref<64x128xf32, #tpu.memory_space<hbm>>)
      tpu.yield
    }) : () -> ()
    %mul3A_110 = arith.constant 640 : i32
    %mul3A_111 = arith.muli %arg1, %mul3A_110 : i32
    %add3A_112 = arith.constant 64 : i32
    %add3A_113 = arith.addi %mul3A_111, %add3A_112 : i32
    "tpu.region"() ({
      %run_scoped3A_146 = tpu.sem_alloc : memref<!tpu.dma_semaphore, #tpu.memory_space<semaphore_mem>>
      %dma_start3A_147 = arith.constant 0 : i32
      %dma_start3A_148 = tpu.memref_slice %arg5[%arg0, %add3A_113, %dma_start3A_147] : memref<2x10240x128xf32, #tpu.memory_space<hbm>> -> memref<1x64x128xf32, #tpu.memory_space<hbm>>
      %dma_start3A_149 = tpu.memref_squeeze %dma_start3A_148 : memref<1x64x128xf32, #tpu.memory_space<hbm>> -> memref<64x128xf32, #tpu.memory_space<hbm>>
      %dma_start3A_150 = arith.constant 0 : i32
      %dma_start3A_151 = tpu.memref_slice %arg7[%add3A_113, %dma_start3A_150] : memref<10240x128xf32, #tpu.memory_space<vmem_shared>> -> memref<64x128xf32, #tpu.memory_space<vmem_shared>>
      tpu.enqueue_dma source(%dma_start3A_151 : memref<64x128xf32, #tpu.memory_space<vmem_shared>>) target(%dma_start3A_149 : memref<64x128xf32, #tpu.memory_space<hbm>>) target_semaphore(%run_scoped3A_146 : memref<!tpu.dma_semaphore, #tpu.memory_space<semaphore_mem>>)
      %dma_wait3A = arith.constant 0 : i32
      %dma_wait3A_152 = tpu.memref_slice %arg5[%arg0, %add3A_113, %dma_wait3A] : memref<2x10240x128xf32, #tpu.memory_space<hbm>> -> memref<1x64x128xf32, #tpu.memory_space<hbm>>
      %dma_wait3A_153 = tpu.memref_squeeze %dma_wait3A_152 : memref<1x64x128xf32, #tpu.memory_space<hbm>> -> memref<64x128xf32, #tpu.memory_space<hbm>>
      %dma_wait3A_154 = arith.constant 0 : i32
      %dma_wait3A_155 = tpu.memref_slice %arg7[%add3A_113, %dma_wait3A_154] : memref<10240x128xf32, #tpu.memory_space<vmem_shared>> -> memref<64x128xf32, #tpu.memory_space<vmem_shared>>
      tpu.wait_dma2 semaphore(%run_scoped3A_146 : memref<!tpu.dma_semaphore, #tpu.memory_space<semaphore_mem>>) src(%dma_wait3A_155 : memref<64x128xf32, #tpu.memory_space<vmem_shared>>) dst(%dma_wait3A_153 : memref<64x128xf32, #tpu.memory_space<hbm>>)
      tpu.yield
    }) : () -> ()
    %mul3A_114 = arith.constant 640 : i32
    %mul3A_115 = arith.muli %arg1, %mul3A_114 : i32
    %add3A_116 = arith.constant 128 : i32
    %add3A_117 = arith.addi %mul3A_115, %add3A_116 : i32
    "tpu.region"() ({
      %run_scoped3A_146 = tpu.sem_alloc : memref<!tpu.dma_semaphore, #tpu.memory_space<semaphore_mem>>
      %dma_start3A_147 = arith.constant 0 : i32
      %dma_start3A_148 = tpu.memref_slice %arg5[%arg0, %add3A_117, %dma_start3A_147] : memref<2x10240x128xf32, #tpu.memory_space<hbm>> -> memref<1x64x128xf32, #tpu.memory_space<hbm>>
      %dma_start3A_149 = tpu.memref_squeeze %dma_start3A_148 : memref<1x64x128xf32, #tpu.memory_space<hbm>> -> memref<64x128xf32, #tpu.memory_space<hbm>>
      %dma_start3A_150 = arith.constant 0 : i32
      %dma_start3A_151 = tpu.memref_slice %arg7[%add3A_117, %dma_start3A_150] : memref<10240x128xf32, #tpu.memory_space<vmem_shared>> -> memref<64x128xf32, #tpu.memory_space<vmem_shared>>
      tpu.enqueue_dma source(%dma_start3A_151 : memref<64x128xf32, #tpu.memory_space<vmem_shared>>) target(%dma_start3A_149 : memref<64x128xf32, #tpu.memory_space<hbm>>) target_semaphore(%run_scoped3A_146 : memref<!tpu.dma_semaphore, #tpu.memory_space<semaphore_mem>>)
      %dma_wait3A = arith.constant 0 : i32
      %dma_wait3A_152 = tpu.memref_slice %arg5[%arg0, %add3A_117, %dma_wait3A] : memref<2x10240x128xf32, #tpu.memory_space<hbm>> -> memref<1x64x128xf32, #tpu.memory_space<hbm>>
      %dma_wait3A_153 = tpu.memref_squeeze %dma_wait3A_152 : memref<1x64x128xf32, #tpu.memory_space<hbm>> -> memref<64x128xf32, #tpu.memory_space<hbm>>
      %dma_wait3A_154 = arith.constant 0 : i32
      %dma_wait3A_155 = tpu.memref_slice %arg7[%add3A_117, %dma_wait3A_154] : memref<10240x128xf32, #tpu.memory_space<vmem_shared>> -> memref<64x128xf32, #tpu.memory_space<vmem_shared>>
      tpu.wait_dma2 semaphore(%run_scoped3A_146 : memref<!tpu.dma_semaphore, #tpu.memory_space<semaphore_mem>>) src(%dma_wait3A_155 : memref<64x128xf32, #tpu.memory_space<vmem_shared>>) dst(%dma_wait3A_153 : memref<64x128xf32, #tpu.memory_space<hbm>>)
      tpu.yield
    }) : () -> ()
    %mul3A_118 = arith.constant 640 : i32
    %mul3A_119 = arith.muli %arg1, %mul3A_118 : i32
    %add3A_120 = arith.constant 192 : i32
    %add3A_121 = arith.addi %mul3A_119, %add3A_120 : i32
    "tpu.region"() ({
      %run_scoped3A_146 = tpu.sem_alloc : memref<!tpu.dma_semaphore, #tpu.memory_space<semaphore_mem>>
      %dma_start3A_147 = arith.constant 0 : i32
      %dma_start3A_148 = tpu.memref_slice %arg5[%arg0, %add3A_121, %dma_start3A_147] : memref<2x10240x128xf32, #tpu.memory_space<hbm>> -> memref<1x64x128xf32, #tpu.memory_space<hbm>>
      %dma_start3A_149 = tpu.memref_squeeze %dma_start3A_148 : memref<1x64x128xf32, #tpu.memory_space<hbm>> -> memref<64x128xf32, #tpu.memory_space<hbm>>
      %dma_start3A_150 = arith.constant 0 : i32
      %dma_start3A_151 = tpu.memref_slice %arg7[%add3A_121, %dma_start3A_150] : memref<10240x128xf32, #tpu.memory_space<vmem_shared>> -> memref<64x128xf32, #tpu.memory_space<vmem_shared>>
      tpu.enqueue_dma source(%dma_start3A_151 : memref<64x128xf32, #tpu.memory_space<vmem_shared>>) target(%dma_start3A_149 : memref<64x128xf32, #tpu.memory_space<hbm>>) target_semaphore(%run_scoped3A_146 : memref<!tpu.dma_semaphore, #tpu.memory_space<semaphore_mem>>)
      %dma_wait3A = arith.constant 0 : i32
      %dma_wait3A_152 = tpu.memref_slice %arg5[%arg0, %add3A_121, %dma_wait3A] : memref<2x10240x128xf32, #tpu.memory_space<hbm>> -> memref<1x64x128xf32, #tpu.memory_space<hbm>>
      %dma_wait3A_153 = tpu.memref_squeeze %dma_wait3A_152 : memref<1x64x128xf32, #tpu.memory_space<hbm>> -> memref<64x128xf32, #tpu.memory_space<hbm>>
      %dma_wait3A_154 = arith.constant 0 : i32
      %dma_wait3A_155 = tpu.memref_slice %arg7[%add3A_121, %dma_wait3A_154] : memref<10240x128xf32, #tpu.memory_space<vmem_shared>> -> memref<64x128xf32, #tpu.memory_space<vmem_shared>>
      tpu.wait_dma2 semaphore(%run_scoped3A_146 : memref<!tpu.dma_semaphore, #tpu.memory_space<semaphore_mem>>) src(%dma_wait3A_155 : memref<64x128xf32, #tpu.memory_space<vmem_shared>>) dst(%dma_wait3A_153 : memref<64x128xf32, #tpu.memory_space<hbm>>)
      tpu.yield
    }) : () -> ()
    %mul3A_122 = arith.constant 640 : i32
    %mul3A_123 = arith.muli %arg1, %mul3A_122 : i32
    %add3A_124 = arith.constant 256 : i32
    %add3A_125 = arith.addi %mul3A_123, %add3A_124 : i32
    "tpu.region"() ({
      %run_scoped3A_146 = tpu.sem_alloc : memref<!tpu.dma_semaphore, #tpu.memory_space<semaphore_mem>>
      %dma_start3A_147 = arith.constant 0 : i32
      %dma_start3A_148 = tpu.memref_slice %arg5[%arg0, %add3A_125, %dma_start3A_147] : memref<2x10240x128xf32, #tpu.memory_space<hbm>> -> memref<1x64x128xf32, #tpu.memory_space<hbm>>
      %dma_start3A_149 = tpu.memref_squeeze %dma_start3A_148 : memref<1x64x128xf32, #tpu.memory_space<hbm>> -> memref<64x128xf32, #tpu.memory_space<hbm>>
      %dma_start3A_150 = arith.constant 0 : i32
      %dma_start3A_151 = tpu.memref_slice %arg7[%add3A_125, %dma_start3A_150] : memref<10240x128xf32, #tpu.memory_space<vmem_shared>> -> memref<64x128xf32, #tpu.memory_space<vmem_shared>>
      tpu.enqueue_dma source(%dma_start3A_151 : memref<64x128xf32, #tpu.memory_space<vmem_shared>>) target(%dma_start3A_149 : memref<64x128xf32, #tpu.memory_space<hbm>>) target_semaphore(%run_scoped3A_146 : memref<!tpu.dma_semaphore, #tpu.memory_space<semaphore_mem>>)
      %dma_wait3A = arith.constant 0 : i32
      %dma_wait3A_152 = tpu.memref_slice %arg5[%arg0, %add3A_125, %dma_wait3A] : memref<2x10240x128xf32, #tpu.memory_space<hbm>> -> memref<1x64x128xf32, #tpu.memory_space<hbm>>
      %dma_wait3A_153 = tpu.memref_squeeze %dma_wait3A_152 : memref<1x64x128xf32, #tpu.memory_space<hbm>> -> memref<64x128xf32, #tpu.memory_space<hbm>>
      %dma_wait3A_154 = arith.constant 0 : i32
      %dma_wait3A_155 = tpu.memref_slice %arg7[%add3A_125, %dma_wait3A_154] : memref<10240x128xf32, #tpu.memory_space<vmem_shared>> -> memref<64x128xf32, #tpu.memory_space<vmem_shared>>
      tpu.wait_dma2 semaphore(%run_scoped3A_146 : memref<!tpu.dma_semaphore, #tpu.memory_space<semaphore_mem>>) src(%dma_wait3A_155 : memref<64x128xf32, #tpu.memory_space<vmem_shared>>) dst(%dma_wait3A_153 : memref<64x128xf32, #tpu.memory_space<hbm>>)
      tpu.yield
    }) : () -> ()
    %mul3A_126 = arith.constant 640 : i32
    %mul3A_127 = arith.muli %arg1, %mul3A_126 : i32
    %add3A_128 = arith.constant 320 : i32
    %add3A_129 = arith.addi %mul3A_127, %add3A_128 : i32
    "tpu.region"() ({
      %run_scoped3A_146 = tpu.sem_alloc : memref<!tpu.dma_semaphore, #tpu.memory_space<semaphore_mem>>
      %dma_start3A_147 = arith.constant 0 : i32
      %dma_start3A_148 = tpu.memref_slice %arg5[%arg0, %add3A_129, %dma_start3A_147] : memref<2x10240x128xf32, #tpu.memory_space<hbm>> -> memref<1x64x128xf32, #tpu.memory_space<hbm>>
      %dma_start3A_149 = tpu.memref_squeeze %dma_start3A_148 : memref<1x64x128xf32, #tpu.memory_space<hbm>> -> memref<64x128xf32, #tpu.memory_space<hbm>>
      %dma_start3A_150 = arith.constant 0 : i32
      %dma_start3A_151 = tpu.memref_slice %arg7[%add3A_129, %dma_start3A_150] : memref<10240x128xf32, #tpu.memory_space<vmem_shared>> -> memref<64x128xf32, #tpu.memory_space<vmem_shared>>
      tpu.enqueue_dma source(%dma_start3A_151 : memref<64x128xf32, #tpu.memory_space<vmem_shared>>) target(%dma_start3A_149 : memref<64x128xf32, #tpu.memory_space<hbm>>) target_semaphore(%run_scoped3A_146 : memref<!tpu.dma_semaphore, #tpu.memory_space<semaphore_mem>>)
      %dma_wait3A = arith.constant 0 : i32
      %dma_wait3A_152 = tpu.memref_slice %arg5[%arg0, %add3A_129, %dma_wait3A] : memref<2x10240x128xf32, #tpu.memory_space<hbm>> -> memref<1x64x128xf32, #tpu.memory_space<hbm>>
      %dma_wait3A_153 = tpu.memref_squeeze %dma_wait3A_152 : memref<1x64x128xf32, #tpu.memory_space<hbm>> -> memref<64x128xf32, #tpu.memory_space<hbm>>
      %dma_wait3A_154 = arith.constant 0 : i32
      %dma_wait3A_155 = tpu.memref_slice %arg7[%add3A_129, %dma_wait3A_154] : memref<10240x128xf32, #tpu.memory_space<vmem_shared>> -> memref<64x128xf32, #tpu.memory_space<vmem_shared>>
      tpu.wait_dma2 semaphore(%run_scoped3A_146 : memref<!tpu.dma_semaphore, #tpu.memory_space<semaphore_mem>>) src(%dma_wait3A_155 : memref<64x128xf32, #tpu.memory_space<vmem_shared>>) dst(%dma_wait3A_153 : memref<64x128xf32, #tpu.memory_space<hbm>>)
      tpu.yield
    }) : () -> ()
    %mul3A_130 = arith.constant 640 : i32
    %mul3A_131 = arith.muli %arg1, %mul3A_130 : i32
    %add3A_132 = arith.constant 384 : i32
    %add3A_133 = arith.addi %mul3A_131, %add3A_132 : i32
    "tpu.region"() ({
      %run_scoped3A_146 = tpu.sem_alloc : memref<!tpu.dma_semaphore, #tpu.memory_space<semaphore_mem>>
      %dma_start3A_147 = arith.constant 0 : i32
      %dma_start3A_148 = tpu.memref_slice %arg5[%arg0, %add3A_133, %dma_start3A_147] : memref<2x10240x128xf32, #tpu.memory_space<hbm>> -> memref<1x64x128xf32, #tpu.memory_space<hbm>>
      %dma_start3A_149 = tpu.memref_squeeze %dma_start3A_148 : memref<1x64x128xf32, #tpu.memory_space<hbm>> -> memref<64x128xf32, #tpu.memory_space<hbm>>
      %dma_start3A_150 = arith.constant 0 : i32
      %dma_start3A_151 = tpu.memref_slice %arg7[%add3A_133, %dma_start3A_150] : memref<10240x128xf32, #tpu.memory_space<vmem_shared>> -> memref<64x128xf32, #tpu.memory_space<vmem_shared>>
      tpu.enqueue_dma source(%dma_start3A_151 : memref<64x128xf32, #tpu.memory_space<vmem_shared>>) target(%dma_start3A_149 : memref<64x128xf32, #tpu.memory_space<hbm>>) target_semaphore(%run_scoped3A_146 : memref<!tpu.dma_semaphore, #tpu.memory_space<semaphore_mem>>)
      %dma_wait3A = arith.constant 0 : i32
      %dma_wait3A_152 = tpu.memref_slice %arg5[%arg0, %add3A_133, %dma_wait3A] : memref<2x10240x128xf32, #tpu.memory_space<hbm>> -> memref<1x64x128xf32, #tpu.memory_space<hbm>>
      %dma_wait3A_153 = tpu.memref_squeeze %dma_wait3A_152 : memref<1x64x128xf32, #tpu.memory_space<hbm>> -> memref<64x128xf32, #tpu.memory_space<hbm>>
      %dma_wait3A_154 = arith.constant 0 : i32
      %dma_wait3A_155 = tpu.memref_slice %arg7[%add3A_133, %dma_wait3A_154] : memref<10240x128xf32, #tpu.memory_space<vmem_shared>> -> memref<64x128xf32, #tpu.memory_space<vmem_shared>>
      tpu.wait_dma2 semaphore(%run_scoped3A_146 : memref<!tpu.dma_semaphore, #tpu.memory_space<semaphore_mem>>) src(%dma_wait3A_155 : memref<64x128xf32, #tpu.memory_space<vmem_shared>>) dst(%dma_wait3A_153 : memref<64x128xf32, #tpu.memory_space<hbm>>)
      tpu.yield
    }) : () -> ()
    %mul3A_134 = arith.constant 640 : i32
    %mul3A_135 = arith.muli %arg1, %mul3A_134 : i32
    %add3A_136 = arith.constant 448 : i32
    %add3A_137 = arith.addi %mul3A_135, %add3A_136 : i32
    "tpu.region"() ({
      %run_scoped3A_146 = tpu.sem_alloc : memref<!tpu.dma_semaphore, #tpu.memory_space<semaphore_mem>>
      %dma_start3A_147 = arith.constant 0 : i32
      %dma_start3A_148 = tpu.memref_slice %arg5[%arg0, %add3A_137, %dma_start3A_147] : memref<2x10240x128xf32, #tpu.memory_space<hbm>> -> memref<1x64x128xf32, #tpu.memory_space<hbm>>
      %dma_start3A_149 = tpu.memref_squeeze %dma_start3A_148 : memref<1x64x128xf32, #tpu.memory_space<hbm>> -> memref<64x128xf32, #tpu.memory_space<hbm>>
      %dma_start3A_150 = arith.constant 0 : i32
      %dma_start3A_151 = tpu.memref_slice %arg7[%add3A_137, %dma_start3A_150] : memref<10240x128xf32, #tpu.memory_space<vmem_shared>> -> memref<64x128xf32, #tpu.memory_space<vmem_shared>>
      tpu.enqueue_dma source(%dma_start3A_151 : memref<64x128xf32, #tpu.memory_space<vmem_shared>>) target(%dma_start3A_149 : memref<64x128xf32, #tpu.memory_space<hbm>>) target_semaphore(%run_scoped3A_146 : memref<!tpu.dma_semaphore, #tpu.memory_space<semaphore_mem>>)
      %dma_wait3A = arith.constant 0 : i32
      %dma_wait3A_152 = tpu.memref_slice %arg5[%arg0, %add3A_137, %dma_wait3A] : memref<2x10240x128xf32, #tpu.memory_space<hbm>> -> memref<1x64x128xf32, #tpu.memory_space<hbm>>
      %dma_wait3A_153 = tpu.memref_squeeze %dma_wait3A_152 : memref<1x64x128xf32, #tpu.memory_space<hbm>> -> memref<64x128xf32, #tpu.memory_space<hbm>>
      %dma_wait3A_154 = arith.constant 0 : i32
      %dma_wait3A_155 = tpu.memref_slice %arg7[%add3A_137, %dma_wait3A_154] : memref<10240x128xf32, #tpu.memory_space<vmem_shared>> -> memref<64x128xf32, #tpu.memory_space<vmem_shared>>
      tpu.wait_dma2 semaphore(%run_scoped3A_146 : memref<!tpu.dma_semaphore, #tpu.memory_space<semaphore_mem>>) src(%dma_wait3A_155 : memref<64x128xf32, #tpu.memory_space<vmem_shared>>) dst(%dma_wait3A_153 : memref<64x128xf32, #tpu.memory_space<hbm>>)
      tpu.yield
    }) : () -> ()
    %mul3A_138 = arith.constant 640 : i32
    %mul3A_139 = arith.muli %arg1, %mul3A_138 : i32
    %add3A_140 = arith.constant 512 : i32
    %add3A_141 = arith.addi %mul3A_139, %add3A_140 : i32
    "tpu.region"() ({
      %run_scoped3A_146 = tpu.sem_alloc : memref<!tpu.dma_semaphore, #tpu.memory_space<semaphore_mem>>
      %dma_start3A_147 = arith.constant 0 : i32
      %dma_start3A_148 = tpu.memref_slice %arg5[%arg0, %add3A_141, %dma_start3A_147] : memref<2x10240x128xf32, #tpu.memory_space<hbm>> -> memref<1x64x128xf32, #tpu.memory_space<hbm>>
      %dma_start3A_149 = tpu.memref_squeeze %dma_start3A_148 : memref<1x64x128xf32, #tpu.memory_space<hbm>> -> memref<64x128xf32, #tpu.memory_space<hbm>>
      %dma_start3A_150 = arith.constant 0 : i32
      %dma_start3A_151 = tpu.memref_slice %arg7[%add3A_141, %dma_start3A_150] : memref<10240x128xf32, #tpu.memory_space<vmem_shared>> -> memref<64x128xf32, #tpu.memory_space<vmem_shared>>
      tpu.enqueue_dma source(%dma_start3A_151 : memref<64x128xf32, #tpu.memory_space<vmem_shared>>) target(%dma_start3A_149 : memref<64x128xf32, #tpu.memory_space<hbm>>) target_semaphore(%run_scoped3A_146 : memref<!tpu.dma_semaphore, #tpu.memory_space<semaphore_mem>>)
      %dma_wait3A = arith.constant 0 : i32
      %dma_wait3A_152 = tpu.memref_slice %arg5[%arg0, %add3A_141, %dma_wait3A] : memref<2x10240x128xf32, #tpu.memory_space<hbm>> -> memref<1x64x128xf32, #tpu.memory_space<hbm>>
      %dma_wait3A_153 = tpu.memref_squeeze %dma_wait3A_152 : memref<1x64x128xf32, #tpu.memory_space<hbm>> -> memref<64x128xf32, #tpu.memory_space<hbm>>
      %dma_wait3A_154 = arith.constant 0 : i32
      %dma_wait3A_155 = tpu.memref_slice %arg7[%add3A_141, %dma_wait3A_154] : memref<10240x128xf32, #tpu.memory_space<vmem_shared>> -> memref<64x128xf32, #tpu.memory_space<vmem_shared>>
      tpu.wait_dma2 semaphore(%run_scoped3A_146 : memref<!tpu.dma_semaphore, #tpu.memory_space<semaphore_mem>>) src(%dma_wait3A_155 : memref<64x128xf32, #tpu.memory_space<vmem_shared>>) dst(%dma_wait3A_153 : memref<64x128xf32, #tpu.memory_space<hbm>>)
      tpu.yield
    }) : () -> ()
    %mul3A_142 = arith.constant 640 : i32
    %mul3A_143 = arith.muli %arg1, %mul3A_142 : i32
    %add3A_144 = arith.constant 576 : i32
    %add3A_145 = arith.addi %mul3A_143, %add3A_144 : i32
    "tpu.region"() ({
      %run_scoped3A_146 = tpu.sem_alloc : memref<!tpu.dma_semaphore, #tpu.memory_space<semaphore_mem>>
      %dma_start3A_147 = arith.constant 0 : i32
      %dma_start3A_148 = tpu.memref_slice %arg5[%arg0, %add3A_145, %dma_start3A_147] : memref<2x10240x128xf32, #tpu.memory_space<hbm>> -> memref<1x64x128xf32, #tpu.memory_space<hbm>>
      %dma_start3A_149 = tpu.memref_squeeze %dma_start3A_148 : memref<1x64x128xf32, #tpu.memory_space<hbm>> -> memref<64x128xf32, #tpu.memory_space<hbm>>
      %dma_start3A_150 = arith.constant 0 : i32
      %dma_start3A_151 = tpu.memref_slice %arg7[%add3A_145, %dma_start3A_150] : memref<10240x128xf32, #tpu.memory_space<vmem_shared>> -> memref<64x128xf32, #tpu.memory_space<vmem_shared>>
      tpu.enqueue_dma source(%dma_start3A_151 : memref<64x128xf32, #tpu.memory_space<vmem_shared>>) target(%dma_start3A_149 : memref<64x128xf32, #tpu.memory_space<hbm>>) target_semaphore(%run_scoped3A_146 : memref<!tpu.dma_semaphore, #tpu.memory_space<semaphore_mem>>)
      %dma_wait3A = arith.constant 0 : i32
      %dma_wait3A_152 = tpu.memref_slice %arg5[%arg0, %add3A_145, %dma_wait3A] : memref<2x10240x128xf32, #tpu.memory_space<hbm>> -> memref<1x64x128xf32, #tpu.memory_space<hbm>>
      %dma_wait3A_153 = tpu.memref_squeeze %dma_wait3A_152 : memref<1x64x128xf32, #tpu.memory_space<hbm>> -> memref<64x128xf32, #tpu.memory_space<hbm>>
      %dma_wait3A_154 = arith.constant 0 : i32
      %dma_wait3A_155 = tpu.memref_slice %arg7[%add3A_145, %dma_wait3A_154] : memref<10240x128xf32, #tpu.memory_space<vmem_shared>> -> memref<64x128xf32, #tpu.memory_space<vmem_shared>>
      tpu.wait_dma2 semaphore(%run_scoped3A_146 : memref<!tpu.dma_semaphore, #tpu.memory_space<semaphore_mem>>) src(%dma_wait3A_155 : memref<64x128xf32, #tpu.memory_space<vmem_shared>>) dst(%dma_wait3A_153 : memref<64x128xf32, #tpu.memory_space<hbm>>)
      tpu.yield
    }) : () -> ()
    "tpu.region"() ({
      %run_scoped3A_146 = tpu.sem_alloc : memref<!tpu.dma_semaphore, #tpu.memory_space<semaphore_mem>>
      %dma_start3A_147 = arith.constant 0 : i32
      %dma_start3A_148 = tpu.memref_slice %arg6[%add3A, %dma_start3A_147] : memref<32x10240xf32, #tpu.memory_space<hbm>> -> memref<1x10240xf32, #tpu.memory_space<hbm>>
      %dma_start3A_149 = tpu.memref_squeeze %dma_start3A_148 : memref<1x10240xf32, #tpu.memory_space<hbm>> -> memref<10240xf32, #tpu.memory_space<hbm>>
      %dma_start3A_150 = arith.constant 0 : i32
      %dma_start3A_151 = tpu.memref_slice %arg6[%add3A, %dma_start3A_150] : memref<32x10240xf32, #tpu.memory_space<hbm>> -> memref<1x10240xf32, #tpu.memory_space<hbm>>
      %dma_start3A_152 = tpu.memref_squeeze %dma_start3A_151 : memref<1x10240xf32, #tpu.memory_space<hbm>> -> memref<10240xf32, #tpu.memory_space<hbm>>
      tpu.enqueue_dma source(%arg11 : memref<10240xf32, #tpu.memory_space<vmem>>) target(%dma_start3A_152 : memref<10240xf32, #tpu.memory_space<hbm>>) target_semaphore(%run_scoped3A_146 : memref<!tpu.dma_semaphore, #tpu.memory_space<semaphore_mem>>)
      %dma_wait3A = arith.constant 0 : i32
      %dma_wait3A_153 = tpu.memref_slice %arg6[%add3A, %dma_wait3A] : memref<32x10240xf32, #tpu.memory_space<hbm>> -> memref<1x10240xf32, #tpu.memory_space<hbm>>
      %dma_wait3A_154 = tpu.memref_squeeze %dma_wait3A_153 : memref<1x10240xf32, #tpu.memory_space<hbm>> -> memref<10240xf32, #tpu.memory_space<hbm>>
      %dma_wait3A_155 = arith.constant 0 : i32
      %dma_wait3A_156 = tpu.memref_slice %arg6[%add3A, %dma_wait3A_155] : memref<32x10240xf32, #tpu.memory_space<hbm>> -> memref<1x10240xf32, #tpu.memory_space<hbm>>
      %dma_wait3A_157 = tpu.memref_squeeze %dma_wait3A_156 : memref<1x10240xf32, #tpu.memory_space<hbm>> -> memref<10240xf32, #tpu.memory_space<hbm>>
      tpu.wait_dma2 semaphore(%run_scoped3A_146 : memref<!tpu.dma_semaphore, #tpu.memory_space<semaphore_mem>>) src(%arg11 : memref<10240xf32, #tpu.memory_space<vmem>>) dst(%dma_wait3A_157 : memref<10240xf32, #tpu.memory_space<hbm>>)
      tpu.yield
    }) : () -> ()
    "tpu.trace_stop"() : () -> ()
    return
  }
}

module attributes {stable_mosaic.version = 14 : i64} {
  func.func @body(%arg0: i32, %arg1: memref<512x128xf32, #tpu.memory_space<vmem>>, %arg2: memref<128x128xf32, #tpu.memory_space<vmem>>, %arg3: memref<1x128xf32, #tpu.memory_space<vmem>>, %arg4: memref<512x128xf32, #tpu.memory_space<vmem>>) attributes {dimension_semantics = [#tpu.dimension_semantics<arbitrary>], iteration_bounds = array<i64: 20>, scalar_prefetch = 0 : i64, scratch_operands = 0 : i64, tpu.core_type = #tpu.core_type<tc>, window_params = [{transform_indices = @transform_0, window_bounds = array<i64: 512, 128>}, {pipeline_mode = #tpu.pipeline_mode<synchronous>, transform_indices = @transform_1, window_bounds = array<i64: 128, 128>}, {pipeline_mode = #tpu.pipeline_mode<synchronous>, transform_indices = @transform_2, window_bounds = array<i64: 1, 128>}, {transform_indices = @transform_3, window_bounds = array<i64: 512, 128>}]} {
    %get3A = arith.constant 0 : index
    %get3A_0 = arith.constant 0 : index
    %get3A_1 = vector.load %arg1[%get3A, %get3A_0] : memref<512x128xf32, #tpu.memory_space<vmem>>, vector<512x128xf32>
    %get3A_2 = arith.constant 0 : index
    %get3A_3 = arith.constant 0 : index
    %get3A_4 = vector.load %arg2[%get3A_2, %get3A_3] : memref<128x128xf32, #tpu.memory_space<vmem>>, vector<128x128xf32>
    %dot_general3A = arith.constant dense<0.000000e+00> : vector<512x128xf32>
    %dot_general3A_5 = tpu.matmul %get3A_1, %get3A_4, %dot_general3A {dimension_numbers = #tpu.dot_dimension_numbers<[1], [0], [0], [1], [0, 0, 1, 1], [], []>, transpose_lhs_hint = false} : vector<512x128xf32>, vector<128x128xf32>, vector<512x128xf32> -> vector<512x128xf32>
    %get3A_6 = arith.constant 0 : index
    %get3A_7 = arith.constant 0 : index
    %get3A_8 = vector.load %arg3[%get3A_6, %get3A_7] : memref<1x128xf32, #tpu.memory_space<vmem>>, vector<1x128xf32>
    %add3A = vector.broadcast %get3A_8 : vector<1x128xf32> to vector<512x128xf32>
    %add3A_9 = arith.addf %dot_general3A_5, %add3A : vector<512x128xf32>
    %swap3A = arith.constant 0 : index
    %swap3A_10 = arith.constant 0 : index
    %swap3A_11 = vector.load %arg4[%swap3A, %swap3A_10] : memref<512x128xf32, #tpu.memory_space<vmem>>, vector<512x128xf32>
    tpu.vector_store %arg4[%swap3A, %swap3A_10], %add3A_9 {strides = array<i32>} : memref<512x128xf32, #tpu.memory_space<vmem>>, vector<512x128xf32>,
    return
  }
  func.func @transform_0(%arg0: i32) -> (i32, i32) {
    %c0_i32 = arith.constant 0 : i32
    %c0_i32_0 = arith.constant 0 : i32
    return %arg0, %c0_i32 : i32, i32
  }
  func.func @transform_1(%arg0: i32) -> (i32, i32) {
    %c0_i32 = arith.constant 0 : i32
    %c0_i32_0 = arith.constant 0 : i32
    %c0_i32_1 = arith.constant 0 : i32
    return %c0_i32, %c0_i32_0 : i32, i32
  }
  func.func @transform_2(%arg0: i32) -> (i32, i32) {
    %c0_i32 = arith.constant 0 : i32
    %c0_i32_0 = arith.constant 0 : i32
    %c0_i32_1 = arith.constant 0 : i32
    return %c0_i32, %c0_i32_0 : i32, i32
  }
  func.func @transform_3(%arg0: i32) -> (i32, i32) {
    %c0_i32 = arith.constant 0 : i32
    %c0_i32_0 = arith.constant 0 : i32
    return %arg0, %c0_i32 : i32, i32
  }
}

module attributes {stable_mosaic.version = 14 : i64} {
  func.func @body(%arg0: i32, %arg1: memref<2x512x128xf32, #tpu.memory_space<vmem>>, %arg2: memref<32x512xf32, #tpu.memory_space<vmem>>, %arg3: memref<512x128xf32, #tpu.memory_space<vmem>>, %arg4: memref<128x128xf32, #tpu.memory_space<vmem>>, %arg5: memref<128x2xf32, #tpu.memory_space<vmem>>, %arg6: memref<512x1xf32, #tpu.memory_space<vmem>>, %arg7: memref<512x1xf32, #tpu.memory_space<vmem>>, %arg8: memref<512xf32, #tpu.memory_space<vmem>>) attributes {dimension_semantics = [#tpu.dimension_semantics<arbitrary>], iteration_bounds = array<i64: 20>, scalar_prefetch = 0 : i64, scratch_operands = 0 : i64, tpu.core_type = #tpu.core_type<tc>, window_params = [{transform_indices = @transform_0, window_bounds = array<i64: 2, 512, 128>}, {transform_indices = @transform_1, window_bounds = array<i64: 32, 512>}, {transform_indices = @transform_2, window_bounds = array<i64: 512, 128>}, {pipeline_mode = #tpu.pipeline_mode<synchronous>, transform_indices = @transform_3, window_bounds = array<i64: 128, 128>}, {pipeline_mode = #tpu.pipeline_mode<synchronous>, transform_indices = @transform_4, window_bounds = array<i64: 128, 2>}, {transform_indices = @transform_5, window_bounds = array<i64: 512, 1>}, {transform_indices = @transform_6, window_bounds = array<i64: 512, 1>}, {transform_indices = @transform_7, window_bounds = array<i64: 512>}]} {
    %get3A = arith.constant 0 : index
    %get3A_0 = arith.constant 0 : index
    %get3A_1 = arith.constant 0 : index
    %get3A_2 = vector.load %arg1[%get3A, %get3A_0, %get3A_1] : memref<2x512x128xf32, #tpu.memory_space<vmem>>, vector<1x512x128xf32>
    %get3A_3 = vector.shape_cast %get3A_2 : vector<1x512x128xf32> to vector<512x128xf32>
    %get3A_4 = arith.constant 1 : index
    %get3A_5 = arith.constant 0 : index
    %get3A_6 = arith.constant 0 : index
    %get3A_7 = vector.load %arg1[%get3A_4, %get3A_5, %get3A_6] : memref<2x512x128xf32, #tpu.memory_space<vmem>>, vector<1x512x128xf32>
    %get3A_8 = vector.shape_cast %get3A_7 : vector<1x512x128xf32> to vector<512x128xf32>
    %add3A = arith.addf %get3A_3, %get3A_8 : vector<512x128xf32>
    %get3A_9 = arith.constant 0 : index
    %get3A_10 = arith.constant 0 : index
    %get3A_11 = vector.load %arg2[%get3A_9, %get3A_10] : memref<32x512xf32, #tpu.memory_space<vmem>>, vector<32x512xf32>
    %reduce_sum3A = arith.constant dense<0.000000e+00> : vector<512xf32>
    %reduce_sum3A_12 = vector.multi_reduction <add>, %get3A_11, %reduce_sum3A [0] : vector<32x512xf32> to vector<512xf32>
    %max3A = arith.constant 1.000000e+00 : f32
    %max3A_13 = vector.broadcast %max3A : f32 to vector<512xf32>
    %max3A_14 = arith.maximumf %reduce_sum3A_12, %max3A_13 : vector<512xf32>
    %broadcast_in_dim3A = vector.shape_cast %max3A_14 : vector<512xf32> to vector<512x1xf32>
    %div3A = vector.broadcast %broadcast_in_dim3A : vector<512x1xf32> to vector<512x128xf32>
    %div3A_15 = arith.divf %add3A, %div3A : vector<512x128xf32>
    %get3A_16 = arith.constant 0 : index
    %get3A_17 = arith.constant 0 : index
    %get3A_18 = vector.load %arg4[%get3A_16, %get3A_17] : memref<128x128xf32, #tpu.memory_space<vmem>>, vector<128x128xf32>
    %dot_general3A = arith.constant dense<0.000000e+00> : vector<512x128xf32>
    %dot_general3A_19 = tpu.matmul %div3A_15, %get3A_18, %dot_general3A {dimension_numbers = #tpu.dot_dimension_numbers<[1], [0], [0], [1], [0, 0, 1, 1], [], []>, transpose_lhs_hint = false} : vector<512x128xf32>, vector<128x128xf32>, vector<512x128xf32> -> vector<512x128xf32>
    %get3A_20 = arith.constant 0 : index
    %get3A_21 = arith.constant 0 : index
    %get3A_22 = vector.load %arg3[%get3A_20, %get3A_21] : memref<512x128xf32, #tpu.memory_space<vmem>>, vector<512x128xf32>
    %add3A_23 = arith.addf %dot_general3A_19, %get3A_22 : vector<512x128xf32>
    %max3A_24 = arith.constant 0.000000e+00 : f32
    %max3A_25 = vector.broadcast %max3A_24 : f32 to vector<512x128xf32>
    %max3A_26 = arith.maximumf %add3A_23, %max3A_25 : vector<512x128xf32>
    %get3A_27 = arith.constant 0 : index
    %get3A_28 = arith.constant 0 : index
    %get3A_29 = vector.load %arg5[%get3A_27, %get3A_28] : memref<128x2xf32, #tpu.memory_space<vmem>>, vector<128x2xf32>
    %dot_general3A_30 = arith.constant dense<0.000000e+00> : vector<512x2xf32>
    %dot_general3A_31 = tpu.matmul %max3A_26, %get3A_29, %dot_general3A_30 {dimension_numbers = #tpu.dot_dimension_numbers<[1], [0], [0], [1], [0, 0, 1, 1], [], []>, transpose_lhs_hint = false} : vector<512x128xf32>, vector<128x2xf32>, vector<512x2xf32> -> vector<512x2xf32>
    %slice3A = vector.extract_strided_slice %dot_general3A_31 {offsets = [0, 0], sizes = [512, 1], strides = [1, 1]} : vector<512x2xf32> to vector<512x1xf32>
    %swap3A = arith.constant 0 : index
    %swap3A_32 = arith.constant 0 : index
    %swap3A_33 = vector.load %arg6[%swap3A, %swap3A_32] : memref<512x1xf32, #tpu.memory_space<vmem>>, vector<512x1xf32>
    tpu.vector_store %arg6[%swap3A, %swap3A_32], %slice3A {strides = array<i32>} : memref<512x1xf32, #tpu.memory_space<vmem>>, vector<512x1xf32>,
    %slice3A_34 = vector.extract_strided_slice %dot_general3A_31 {offsets = [0, 1], sizes = [512, 1], strides = [1, 1]} : vector<512x2xf32> to vector<512x1xf32>
    %swap3A_35 = arith.constant 0 : index
    %swap3A_36 = arith.constant 0 : index
    %swap3A_37 = vector.load %arg7[%swap3A_35, %swap3A_36] : memref<512x1xf32, #tpu.memory_space<vmem>>, vector<512x1xf32>
    tpu.vector_store %arg7[%swap3A_35, %swap3A_36], %slice3A_34 {strides = array<i32>} : memref<512x1xf32, #tpu.memory_space<vmem>>, vector<512x1xf32>,
    %swap3A_38 = arith.constant 0 : index
    %swap3A_39 = vector.load %arg8[%swap3A_38] : memref<512xf32, #tpu.memory_space<vmem>>, vector<512xf32>
    tpu.vector_store %arg8[%swap3A_38], %max3A_14 {strides = array<i32>} : memref<512xf32, #tpu.memory_space<vmem>>, vector<512xf32>,
    return
  }
  func.func @transform_0(%arg0: i32) -> (i32, i32, i32) {
    %c0_i32 = arith.constant 0 : i32
    %c0_i32_0 = arith.constant 0 : i32
    %c0_i32_1 = arith.constant 0 : i32
    return %c0_i32, %arg0, %c0_i32_0 : i32, i32, i32
  }
  func.func @transform_1(%arg0: i32) -> (i32, i32) {
    %c0_i32 = arith.constant 0 : i32
    %c0_i32_0 = arith.constant 0 : i32
    return %c0_i32, %arg0 : i32, i32
  }
  func.func @transform_2(%arg0: i32) -> (i32, i32) {
    %c0_i32 = arith.constant 0 : i32
    %c0_i32_0 = arith.constant 0 : i32
    return %arg0, %c0_i32 : i32, i32
  }
  func.func @transform_3(%arg0: i32) -> (i32, i32) {
    %c0_i32 = arith.constant 0 : i32
    %c0_i32_0 = arith.constant 0 : i32
    %c0_i32_1 = arith.constant 0 : i32
    return %c0_i32, %c0_i32_0 : i32, i32
  }
  func.func @transform_4(%arg0: i32) -> (i32, i32) {
    %c0_i32 = arith.constant 0 : i32
    %c0_i32_0 = arith.constant 0 : i32
    %c0_i32_1 = arith.constant 0 : i32
    return %c0_i32, %c0_i32_0 : i32, i32
  }
  func.func @transform_5(%arg0: i32) -> (i32, i32) {
    %c0_i32 = arith.constant 0 : i32
    %c0_i32_0 = arith.constant 0 : i32
    return %arg0, %c0_i32 : i32, i32
  }
  func.func @transform_6(%arg0: i32) -> (i32, i32) {
    %c0_i32 = arith.constant 0 : i32
    %c0_i32_0 = arith.constant 0 : i32
    return %arg0, %c0_i32 : i32, i32
  }
  func.func @transform_7(%arg0: i32) -> i32 {
    %c0_i32 = arith.constant 0 : i32
    return %arg0 : i32
  }
}

module attributes {stable_mosaic.version = 14 : i64} {
  func.func @body(%arg0: memref<5xf32, #tpu.memory_space<smem>>, %arg1: memref<32x80x128xf32, #tpu.memory_space<vmem>>, %arg2: memref<80x128xf32, #tpu.memory_space<vmem>>, %arg3: memref<80x128xf32, #tpu.memory_space<vmem>>, %arg4: memref<80x128xf32, #tpu.memory_space<vmem>>, %arg5: memref<80x128xf32, #tpu.memory_space<vmem>>) attributes {dimension_semantics = [], scalar_prefetch = 0 : i64, scratch_operands = 0 : i64, tpu.core_type = #tpu.core_type<tc>} {
    %get3A = arith.constant 0 : index
    %get3A_0 = arith.constant 0 : index
    %get3A_1 = arith.constant 0 : index
    %get3A_2 = vector.load %arg1[%get3A, %get3A_0, %get3A_1] : memref<32x80x128xf32, #tpu.memory_space<vmem>>, vector<32x80x128xf32>
    %reduce_sum3A = arith.constant dense<0.000000e+00> : vector<80x128xf32>
    %reduce_sum3A_3 = vector.multi_reduction <add>, %get3A_2, %reduce_sum3A [0] : vector<32x80x128xf32> to vector<80x128xf32>
    %get3A_4 = arith.constant 0 : index
    %get3A_5 = arith.constant 0 : index
    %get3A_6 = vector.load %arg2[%get3A_4, %get3A_5] : memref<80x128xf32, #tpu.memory_space<vmem>>, vector<80x128xf32>
    %div3A = arith.divf %reduce_sum3A_3, %get3A_6 : vector<80x128xf32>
    %get3A_7 = arith.constant 0 : index
    %get3A_8 = memref.load %arg0[%get3A_7] : memref<5xf32, #tpu.memory_space<smem>>
    %add3A = vector.broadcast %get3A_8 : f32 to vector<80x128xf32>
    %add3A_9 = arith.addf %div3A, %add3A : vector<80x128xf32>
    %get3A_10 = arith.constant 0 : index
    %get3A_11 = arith.constant 0 : index
    %get3A_12 = vector.load %arg3[%get3A_10, %get3A_11] : memref<80x128xf32, #tpu.memory_space<vmem>>, vector<80x128xf32>
    %add3A_13 = arith.addf %add3A_9, %get3A_12 : vector<80x128xf32>
    %get3A_14 = arith.constant 1 : index
    %get3A_15 = memref.load %arg0[%get3A_14] : memref<5xf32, #tpu.memory_space<smem>>
    %mul3A = vector.broadcast %get3A_15 : f32 to vector<80x128xf32>
    %mul3A_16 = arith.mulf %add3A_13, %mul3A : vector<80x128xf32>
    %get3A_17 = arith.constant 2 : index
    %get3A_18 = memref.load %arg0[%get3A_17] : memref<5xf32, #tpu.memory_space<smem>>
    %add3A_19 = vector.broadcast %get3A_18 : f32 to vector<80x128xf32>
    %add3A_20 = arith.addf %mul3A_16, %add3A_19 : vector<80x128xf32>
    %get3A_21 = arith.constant 0 : index
    %get3A_22 = arith.constant 0 : index
    %get3A_23 = vector.load %arg4[%get3A_21, %get3A_22] : memref<80x128xf32, #tpu.memory_space<vmem>>, vector<80x128xf32>
    %get3A_24 = arith.constant 3 : index
    %get3A_25 = memref.load %arg0[%get3A_24] : memref<5xf32, #tpu.memory_space<smem>>
    %mul3A_26 = vector.broadcast %get3A_25 : f32 to vector<80x128xf32>
    %mul3A_27 = arith.mulf %add3A_13, %mul3A_26 : vector<80x128xf32>
    %get3A_28 = arith.constant 4 : index
    %get3A_29 = memref.load %arg0[%get3A_28] : memref<5xf32, #tpu.memory_space<smem>>
    %add3A_30 = vector.broadcast %get3A_29 : f32 to vector<80x128xf32>
    %add3A_31 = arith.addf %mul3A_27, %add3A_30 : vector<80x128xf32>
    %exp3A = math.exp %add3A_31 : vector<80x128xf32>
    %mul3A_32 = arith.mulf %get3A_23, %exp3A : vector<80x128xf32>
    %add3A_33 = arith.addf %add3A_20, %mul3A_32 : vector<80x128xf32>
    %swap3A = arith.constant 0 : index
    %swap3A_34 = arith.constant 0 : index
    %swap3A_35 = vector.load %arg5[%swap3A, %swap3A_34] : memref<80x128xf32, #tpu.memory_space<vmem>>, vector<80x128xf32>
    tpu.vector_store %arg5[%swap3A, %swap3A_34], %add3A_33 {strides = array<i32>} : memref<80x128xf32, #tpu.memory_space<vmem>>, vector<80x128xf32>,
    return
  }
}

</mosaic_0001>

<sc_bundles>
// kernel: kernel.10.cloned.1.call-start
scs
__scs_entry_jumppad:
0x0: {  	(pc) =	sbr.rel $0x88, $3  }
0x1: {  	(tag) =	ssettag $0x0;
	lr =	simm.s32 $0x1  }
0x2: {  	[smem:$0x3F95] =	sst lr;
	_ =	strace $0xD0000000  }
0x3: {  	_ = 	snop  }
0x4: {  	_ = 	snop  }
0x5: {  	_ = 	snop  }
0x6: {  	_ = 	snop  }
0x7: {  	_ = 	snop  }
__scs_overlays_trampoline_lowered:
0x8: {  	[smem:$0x3FA4] =	sst s0  }
0x9: {  	[smem:$0x3FA5] =	sst s1  }
0xa: {  	[smem:$0x3FA6] =	sst s2  }
0xb: {  	[smem:$0x3FA7] =	sst s3  }
0xc: {  	[smem:$0x3FA8] =	sst s4  }
0xd: {  	[smem:$0x3FA9] =	sst s5  }
0xe: {  	[smem:$0x3FAA] =	sst s6  }
0xf: {  	[smem:$0x3FAB] =	sst s7  }
0x10: {  	[smem:$0x3FAC] =	sst s8  }
0x11: {  	[smem:$0x3FAD] =	sst s9;
	s0 =	simm.s32 @!p0 $0x0  }
0x12: {  	s1 =	sld [smem:$0x3F93];
	s0 =	simm.s32 @p0 $0x1  }
0x13: {  	[smem:$0x3FAE] =	sst s0;
	s0 =	simm.s32 @!p1 $0x0  }
0x14: {  	s2 =	sld [smem:$0x3F92];
	s0 =	simm.s32 @p1 $0x1  }
0x15: {  	[smem:$0x3FAF] =	sst s0;
	s0 =	simm.s32 @!p2 $0x0  }
0x16: {  	s3 =	sld [smem:$0x3FDB];
	s0 =	simm.s32 @p2 $0x1  }
0x17: {  	s4 =	simm.s32 $0x1BF5;
	[smem:$0x3FB1] =	sst s0  }
0x18: {  	s0 =	sld [smem:$0x3F94];
	_ =	swait.ge [sflag:s4], $0x0  }
0x19: {  	s7 =	sld [smem:$0x3F95]  }
0x1a: {  	s8 =	sadd.s32 $0xFFFFE003, lr  }
0x1b: {  	s9 =	sadd.s32 $0xFFFFFEF7, lr;
	s5 =	simm.s32 $0xFFFFFFFF;
	p2 =	slt.u32 s8, $0xFFFFF086  }
0x1c: {  	p1 =	slt.u32 s9, $0xF7A;
	s5 =	simm.s32 @!p2 $0x0  }
0x1d: {  	s5 =	simm.s32 @p1 $0x1;
	p0 =	seq.s32 s7, s2  }
0x1e: {  	s7 =	smul.u32 @!p0 $0xF7A, s2;
	p2 =	seq.s32 @!p0 s5, $0x0  }
0x1f: {  	s9 =	smul.u32 $0xF7A, s1;
	s8 =	simm.s32 @!p0 $0x1BF5;
	p2 =	por !p2, p0  }
0x20: {  	[sflag:s8] =	ssyncset.s32 @!p0 $0xFFFFF086;
	s6 =	sadd.s32 @!p0 s3, s7;
	s7 =	simm.s32 @!p0 $0x108  }
0x21: {  	s3 =	sadd.s32 s3, s9;
	s6 =	sadd.s32 @!p0 $0x88, s6;
	s7 =	simm.s32 @p2 $0x1082  }
0x22: {  	[simem:s7], [sflag:s8] =	dma.local @!p0 [hbm:s6], $0xF7A  }
0x23: {  	s9 =	sor.u32 $0xD0000000, s2;
	s6 =	simm.s32 $0x108;
	_ =	swait.ge @!p0 [sflag:s8], $0x0  }
0x24: {  	s3 =	sadd.s32 $0x88, s3;
	s6 =	simm.s32 @!p1 $0x1082;
	[sflag:s4] =	ssyncset.s32 $0xFFFFF086  }
0x25: {  	[simem:s6], [sflag:s4] =	dma.local [hbm:s3], $0xF7A  }
0x26: {  	[smem:$0x3F95] =	sst s1;
	(tag) =	ssettag s2;
	_ =	strace s9  }
0x27: {  	s1 =	sld [smem:$0x3FA5]  }
0x28: {  	s2 =	sld [smem:$0x3FA6]  }
0x29: {  	s4 =	sld [smem:$0x3FA8]  }
0x2a: {  	p0 =	seq.s32 s5, $0x0;
	s5 =	sld [smem:$0x3FA9]  }
0x2b: {  	s6 =	sld [smem:$0x3FAA]  }
0x2c: {  	s7 =	sld [smem:$0x3FAB]  }
0x2d: {  	s3 =	simm.s32 $0x108;
	s8 =	sld [smem:$0x3FAC]  }
0x2e: {  	s3 =	simm.s32 @!p0 $0x1082;
	s9 =	sld [smem:$0x3FAD]  }
0x2f: {  	lr =	sadd.s32 s0, s3;
	s0 =	sld [smem:$0x3FA4]  }
0x30: {  	s3 =	sld [smem:$0x3FA7]  }
0x31: {  	[smem:$0x3FB0] =	sst s10  }
0x32: {  	s10 =	sld [smem:$0x3FAE];
	_ =	sdelay $0x3  }
0x33: {  	p0 =	seq.s32 s10, $0x1;
	s10 =	sld [smem:$0x3FB0];
	_ =	sdelay $0x3  }
0x34: {  	[smem:$0x3FB0] =	sst s10  }
0x35: {  	s10 =	sld [smem:$0x3FAF];
	_ =	sdelay $0x3  }
0x36: {  	p1 =	seq.s32 s10, $0x1;
	s10 =	sld [smem:$0x3FB0];
	_ =	sdelay $0x3  }
0x37: {  	[smem:$0x3FB0] =	sst s10  }
0x38: {  	s10 =	sld [smem:$0x3FB1]  }
0x39: {  	_ = 	snop;
	(pc) =	sbr.ind lr, $3  }
0x3a: {  	_ = 	snop  }
0x3b: {  	_ = 	snop  }
0x3c: {  	p2 =	seq.s32 s10, $0x1;
	s10 =	sld [smem:$0x3FB0]  }
0x3d: {  	_ =	shalt  }
0x3e: {  	_ =	shalt  }
0x3f: {  	_ =	shalt  }
0x40: {  	_ =	shalt  }
0x41: {  	_ =	shalt  }
0x42: {  	_ =	shalt  }
0x43: {  	_ =	shalt  }
0x44: {  	_ =	shalt  }
0x45: {  	_ =	shalt  }
0x46: {  	_ =	shalt  }
0x47: {  	_ =	shalt  }
0x48: {  	_ =	shalt  }
0x49: {  	_ =	shalt  }
0x4a: {  	_ =	shalt  }
0x4b: {  	_ =	shalt  }
0x4c: {  	_ =	shalt  }
0x4d: {  	_ =	shalt  }
0x4e: {  	_ =	shalt  }
0x4f: {  	_ =	shalt  }
0x50: {  	_ =	shalt  }
0x51: {  	_ =	shalt  }
0x52: {  	_ =	shalt  }
0x53: {  	_ =	shalt  }
0x54: {  	_ =	shalt  }
0x55: {  	_ =	shalt  }
0x56: {  	_ =	shalt  }
0x57: {  	_ =	shalt  }
0x58: {  	_ =	shalt  }
0x59: {  	_ =	shalt  }
0x5a: {  	_ =	shalt  }
0x5b: {  	_ =	shalt  }
0x5c: {  	_ =	shalt  }
0x5d: {  	_ =	shalt  }
0x5e: {  	_ =	shalt  }
0x5f: {  	_ =	shalt  }
0x60: {  	_ =	shalt  }
0x61: {  	_ =	shalt  }
0x62: {  	_ =	shalt  }
0x63: {  	_ =	shalt  }
0x64: {  	_ =	shalt  }
0x65: {  	_ =	shalt  }
0x66: {  	_ =	shalt  }
0x67: {  	_ =	shalt  }
0x68: {  	_ =	shalt  }
0x69: {  	_ =	shalt  }
0x6a: {  	_ =	shalt  }
0x6b: {  	_ =	shalt  }
0x6c: {  	_ =	shalt  }
0x6d: {  	_ =	shalt  }
0x6e: {  	_ =	shalt  }
0x6f: {  	_ =	shalt  }
0x70: {  	_ =	shalt  }
0x71: {  	_ =	shalt  }
0x72: {  	_ =	shalt  }
0x73: {  	_ =	shalt  }
0x74: {  	_ =	shalt  }
0x75: {  	_ =	shalt  }
0x76: {  	_ =	shalt  }
0x77: {  	_ =	shalt  }
0x78: {  	_ =	shalt  }
0x79: {  	_ =	shalt  }
0x7a: {  	_ =	shalt  }
0x7b: {  	_ =	shalt  }
0x7c: {  	_ =	shalt  }
0x7d: {  	_ =	shalt  }
0x7e: {  	_ =	shalt  }
0x7f: {  	_ =	shalt  }
0x80: {  	_ =	shalt  }
0x81: {  	_ =	shalt  }
0x82: {  	_ =	shalt  }
0x83: {  	_ =	shalt  }
0x84: {  	_ =	shalt  }
0x85: {  	_ =	shalt  }
0x86: {  	_ =	shalt  }
0x87: {  	_ =	shalt  }
.Lfunc_end0:
.L_simem_size_0:
called_computation.1_lowered:
.L_overlay_start_0:
0x88: {  	s2 =	sld [smem:$0x3FD9]  }
0x89: {  	s3 =	sld [smem:$0x3FFE];
	_ =	sdelay $0x1  }
0x8a: {  	s1 =	srdreg.scid  }
0x8b: {  	s0 =	sand.u32 $0x1, s1  }
0x8c: {  	s16 =	sshll.u32 s0, $0xA;
	s2 =	sadd.s32 s3, s2  }
0x8d: {  	s2 =	sadd.s32 s2, s16  }
0x8e: {  	[smem:$0x3FBC] =	sst s2  }
0x8f: {  	_ = 	snop  }
0x90: {  	(tm) =	ssettm $0x1  }
0x91: {  	s17 =	sld [smem:$0x3FFB];
	_ =	sdelay $0x3  }
0x92: {  	_ =	strace s17  }
0x93: {  	s2 =	sld [smem:$0x3FFC];
	_ =	sdelay $0x3  }
0x94: {  	_ =	strace s2  }
0x95: {  	s2 =	sld [smem:$0x3FFD];
	_ =	sdelay $0x3  }
0x96: {  	_ =	strace s2  }
0x97: {  	_ =	strace $0x8FFFFFFF  }
0x98: {  	s18 =	sld [smem:$0x3FDB];
	_ =	sdelay $0x1  }
0x99: {  	s19 =	simm.s32 $_scs_section_size  }
0x9a: {  	s4 =	simm.s32 $_size__tile_overlayer_lowered;
	s5 =	simm.s32 $_tile_overlayer_lowered  }
0x9b: {  	s22 =	simm.s32 $0x1BFF;
	s21 =	sshll.u32 s5, $0x1;
	s2 =	sadd.s32 s19, s18  }
0x9c: {  	s6 =	simm.s32 $0x0;
	s20 =	sshll.u32 s4, $0x1;
	s4 =	sadd.s32 s21, s2  }
0x9d: {  	[timem:s6], [sflag:s22] =	dma.local [hbm:s4], s20  }
0x9e: {  	_ =	swait.ge [sflag:s22], s20  }
0x9f: {  	s3 =	ssub.s32 $0x0, s20;
	[sflag:s22] =	ssyncset.done $0x0  }
0xa0: {  	[sflag:s22] =	ssyncadd.s32 s3;
	_ =	sdelay $0x1  }
0xa1: {  	s23 =	simm.s32 $0x1B8B  }
0xa2: {  	_ =	swait.ge [sflag:s23], $0x1  }
0xa3: {  	[sflag:s23] =	ssyncset.done $0x0  }
0xa4: {  	s25 =	simm.s32 $0x1B8E;
	s24 =	sld [smem:$0x3FFE];
	[sflag:s23] =	ssyncadd.s32 $0xFFFFFFFF  }
0xa5: {  	s26 =	simm.s32 $execute0_lowered;
	[smem:$0x3FD2] =	sst s25  }
0xa6: {  	s4 =	sshll.u32 s26, $0x1;
	_ =	strace $0x8000004C;
	[dreg:$0x1] =	wrdreg $0xFFFFFFFF  }
0xa7: {  	s28 =	simm.s32 $_size_execute0_lowered;
	s2 =	sadd.s32 s2, s4;
	[dreg:$0x0] =	wrdreg $0x0  }
0xa8: {  	s4 =	sshll.u32 s28, $0x1;
	[dreg:$0x2] =	wrdreg s2  }
0xa9: {  	[dreg:$0x3] =	wrdreg s4  }
0xaa: {  	[dreg:$0x4] =	wrdreg $0xC0  }
0xab: {  	_ =	task [dreg:s6], $0x5FFFF  }
0xac: {  	[dreg:$0x1] =	wrdreg $0xFFFFFFFF  }
0xad: {  	[dreg:$0x0] =	wrdreg $0x60  }
0xae: {  	[dreg:$0x2] =	wrdreg s24  }
0xaf: {  	[dreg:$0x3] =	wrdreg $0x9  }
0xb0: {  	_ =	task.clear_ibuf [dreg:s6], $0x4FFFF;
	_ =	strace $0x9000004C  }
0xb1: {  	s29 =	simm.s32 $0x9;
	_ =	strace $0x8000004E  }
0xb2: {  	_ =	swait.ge [sflag:s29], $0x1  }
0xb3: {  	[sflag:s29] =	ssyncadd.s32 $0xFFFFFFFF  }
0xb4: {  	_ =	strace $0x9000004E  }
0xb5: {  	_ =	sfence  }
0xb6: {  	s30 =	sld [smem:$0x0];
	_ =	sdelay $0x2  }
0xb7: {  	s31 =	sshll.u32 s1, $0xD;
	s1 =	sshrl.u32 s1, $0x2  }
0xb8: {  	s3 =	sand.u32 $0x4000, s31;
	s1 =	sadd.s32 s1, s30  }
0xb9: {  	s0 =	sor.u32 s3, s0;
	s1 =	sshll.u32 s1, $0x11  }
0xba: {  	s0 =	sor.u32 s1, s0  }
0xbb: {  	s0 =	sadd.s32 $0x8F2B, s0  }
0xbc: {  	[sflag:s0] =	ssyncadd.remote.s32 $0x1  }
0xbd: {  	_ =	sfence.sel $0xFFFF  }
0xbe: {  	[dreg:$0x0] =	wrdreg $0xFFFFFFFF;
	(pc) =	sbr.abs _section_cstart, $3  }
0xbf: {  	[dreg:$0x1] =	wrdreg $0xFFFFFFFF  }
0xc0: {  	_ =	task.clear_ibuf [dreg:s6], $0x2FFFF;
	_ =	strace $0x9FFFFFFF  }
0xc1: {  	(tm) =	ssettm $0x7FFFFFFF  }
tec
execute0_lowered:
.L_overlay_start_1:
0x0: {  	(tag) =	ssettag $0x1  }
0x1: {  	s0 =	srdreg.scid  }
0x2: {  	s5 =	rddreg [dreg:$0x0];
	s2 =	simm.s32 $0x0;
	s9 =	simm.s32 $0x5000  }
0x3: {  	s10 =	simm.s32 $0x7800;
	s11 =	simm.s32 $0x2800;
	s4 =	sand.u32 $0x1, s0  }
0x4: {  	s12 =	simm.s32 $0x80;
	s0 =	stileid.u32;
	s1 =	sshll.u32 s4, $0x4  }
0x5: {  	s13 =	simm.s32 $0x400;
	s14 =	simm.s32 $0x0;
	s3 =	sor.u32 s0, s1  }
0x6: {  	[smem:$0x7FF] =	sst s2;
	s7 =	sshll.u32 s0, $0x7;
	s6 =	sshrl.u32 s3, $0x3  }
0x7: {  	s4 =	ssub.s32 $0x2, s4;
	s1 =	rddreg [dreg:$0x1];
	s6 =	smul.u32 $0x14000, s6  }
0x8: {  	s7 =	sand.u32 $0x380, s7;
	_ =	strace $0x8000004D;
	s8 =	smul.u32 $0x4E2, s3  }
0x9: {  	s30 =	sshrl.u32 s4, $0x1;
	s3 =	sadd.s32 $0x14A00, s5;
	s6 =	sor.u32 s7, s6  }
0xa: {  	s31 =	ssub.s32 s4, s30;
	s29 =	sadd.s32 s8, s5;
	s6 =	sshrl.u32 s6, $0x3  }
0xb: {  	v0 =	vlaneseq.u32;
	s8 =	simm.s32 $0x1;
	s4 =	sadd.s32 $0xAC00, s29;
	s6 =	sadd.s32 s6, s5  }
0xc: {  	v2 =	vimm.f32 $0.0e+00;
	v1 =	vor.u32 $0x2710, v0;
	s7 =	smax.u32 s31, $0x1;
	s5 =	sadd.s32 $0xE00, s29;
	s6 =	sadd.s32 $0x15000, s6  }
.LBB2_1:
0xd: {  	[tilespmem:s2], [sflag:$0x1] =	stream.linear.gather [hbm4b:s3+s2], $0x2800, $0x38;
	[tilespmem:$0xA000] =	vst v63  }
0xe: {  	_ =	swait.ge [sflag:s8], $0x2800  }
0xf: {  	[sflag:s8] =	ssyncset.done $0x0  }
0x10: {  	[sflag:s8] =	ssyncadd.s32 $0xFFFFD800  }
0x11: {  	[tilespmem:s9], [sflag:$0x1] =	stream.linear.gather [hbm4b:s4+s2], $0x2710, $0x38;
	[tilespmem:$0xA000] =	vst v63  }
0x12: {  	_ =	swait.ge [sflag:s8], $0x2710  }
0x13: {  	[sflag:s8] =	ssyncset.done $0x0  }
0x14: {  	[sflag:s8] =	ssyncadd.s32 $0xFFFFD8F0  }
0x15: {  	[tilespmem:s10], [sflag:$0x1] =	stream.linear.gather [hbm4b:s5+s2], $0x2710, $0x38;
	[tilespmem:$0xA000] =	vst v63  }
0x16: {  	_ =	swait.ge [sflag:s8], $0x2710  }
0x17: {  	[sflag:s8] =	ssyncset.done $0x0  }
0x18: {  	s15 =	simm.s32 $0x7710;
	v3 =	vor.u32 s2, v0;
	[sflag:s8] =	ssyncadd.s32 $0xFFFFD8F0  }
0x19: {  	s16 =	simm.s32 $0x9F10;
	[tilespmem:s15+$0x0] =	vst v3;
	v3 =	vadd.s32 s2, v1  }
0x1a: {  	s17 =	simm.s32 $0x10;
	[tilespmem:s16+$0x0] =	vst v3  }
.LBB2_2:
0x1b: {  	p0 =	sne.s32 s17, $0xE0  }
.Ltmp0:
0x1c: {  	_ = 	snop;
	(pc) =	sbr.rel @p0 .LBB2_2-.Ltmp0, $4  }
0x1d: {  	_ = 	snop  }
0x1e: {  	v3 =	vor.u32 s17, v0;
	s15 =	sadd.s32 $0x10, s15  }
0x1f: {  	s16 =	sadd.s32 $0x10, s16;
	[tilespmem:s15+$0x0] =	vst v3;
	v3 =	vadd.s32 s17, v1;
	s17 =	sadd.s32 $0x10, s17  }
0x20: {  	[tilespmem:s16+$0x0] =	vst v3  }
0x21: {  	s15 =	simm.s32 $0x40;
	s16 =	simm.s32 $0x0  }
.LBB2_4:
0x22: {  	p0 =	sne.s32 s15, $0x9FC0;
	[tilespmem:s16+$0x2800] =	vst v2;
	s16 =	smov.u32 s15;
	s15 =	sadd.s32 $0x40, s15  }
.Ltmp1:
0x23: {  	(pc) =	sbr.rel @p0 .LBB2_4-.Ltmp1, $2  }
0x24: {  	_ =	sdelay $0x2  }
0x25: {  	s16 =	sshra.s32 s16, $0x2  }
0x26: {  	[tilespmem:s16+$0x2800] =	vst v2;
	s16 =	simm.s32 $0x0;
	s15 =	simm.s32 $0x40  }
.LBB2_6:
0x27: {  	p0 =	sne.s32 s15, $0x9FC0;
	v3 =	vld [tilespmem:s16+$0x5000];
	_ =	sdelay $0x5  }
0x28: {  	v4 =	vld [tilespmem:s16+$0x7800];
	_ =	sdelay $0x1  }
0x29: {  	v3 =	vld.idx.msk [tilespmem:v3+s2+$0x0], $0xffff;
	_ =	sdelay $0x1  }
.Ltmp2:
0x2a: {  	(pc) =	sbr.rel @p0 .LBB2_6-.Ltmp2, $2  }
0x2b: {  	_ =	sdelay $0x2  }
0x2c: {  	s16 =	sshra.s32 s15, $0x2;
	s15 =	sadd.s32 $0x40, s15;
	[tilespmem:v4+s11+$0x0] =	vst.idx.add.f32.msk $0xffff, v3  }
0x2d: {  	v3 =	vld [tilespmem:s16+$0x5000];
	_ =	sdelay $0x4  }
0x2e: {  	v4 =	vld [tilespmem:s16+$0x7800];
	_ =	sdelay $0x2  }
0x2f: {  	v3 =	vld.idx.msk [tilespmem:v3+s2+$0x0], $0xffff;
	_ =	sdelay $0x2  }
0x30: {  	s14 =	sadd.s32 $0x1, s14  }
0x31: {  	p0 =	sne.s32 s14, s7  }
.Ltmp3:
0x32: {  	[tilespmem:v4+s11+$0x0] =	vst.idx.add.f32.msk $0xffff, v3;
	(pc) =	sbr.rel @p0 .LBB2_1-.Ltmp3, $4  }
0x33: {  	[hbm4b:s6+s12] =	stream.strided.scatter [tilespmem:s11], [sflag:$0x1], $0x2800, s13, s12, $0x38;
	[tilespmem:$0xA000] =	vst v63  }
0x34: {  	_ =	swait.ge [sflag:s8], $0x2800  }
0x35: {  	[sflag:s8] =	ssyncset.done $0x0  }
0x36: {  	[sflag:s8] =	ssyncadd.s32 $0xFFFFD800  }
0x37: {  	_ =	sfence.sel $0x180000  }
0x38: {  	[bflag:$0x0] =	sbarrier.arrive $0xFFFF  }
0x39: {  	p0 =	sne.s32 s0, $0x0;
	_ =	strace $0x9000004D  }
0x3a: {  	s0 =	sadd.s32 @!p0 $0x100000, s1;
	[bflag:$0x2] =	sbarrier.arrive $0xFFFF  }
0x3b: {  	[sflag:s0] =	ssyncadd.tile.s32 @!p0 $0x1;
	_ =	shalt  }
.Lfunc_end2:
_tile_overlayer_lowered:
.L_overlay_start_2:
0x3c: {  	(tag) =	ssettag $0x2  }
0x3d: {  	s0 =	rddreg [dreg:$0x0];
	s2 =	stileid.u32  }
0x3e: {  	s1 =	rddreg [dreg:$0x1];
	p0 =	sne.s32 s2, $0x0  }
0x3f: {  	s3 =	rddreg [dreg:$0x2];
	[bflag:$0x3] =	sbarrier.arrive $0xFFFF;
	s2 =	simm.s32 @!p0 $0x1C01  }
0x40: {  	[timem:s3], [sflag:s2] =	dma.local @!p0 [hbm:s0], s1  }
0x41: {  	s0 =	simm.s32 @!p0 $0x1  }
0x42: {  	_ =	swait.ge @!p0 [sflag:s0], s1  }
0x43: {  	s1 =	ssub.s32 @!p0 $0x0, s1;
	[sflag:s0] =	ssyncset.done @!p0 $0x0  }
0x44: {  	[sflag:s0] =	ssyncadd.s32 @!p0 s1  }
0x45: {  	[bflag:$0x3] =	sbarrier.arrive $0xFFFF  }
0x46: {  	_ =	shalt  }

// kernel: kernel.7.cloned.1.call-start
scs
__scs_entry_jumppad:
0x0: {  	(pc) =	sbr.rel $0x88, $3  }
0x1: {  	(tag) =	ssettag $0x0;
	lr =	simm.s32 $0x1  }
0x2: {  	[smem:$0x3F95] =	sst lr;
	_ =	strace $0xD0000000  }
0x3: {  	_ = 	snop  }
0x4: {  	_ = 	snop  }
0x5: {  	_ = 	snop  }
0x6: {  	_ = 	snop  }
0x7: {  	_ = 	snop  }
__scs_overlays_trampoline_lowered:
0x8: {  	[smem:$0x3FA4] =	sst s0  }
0x9: {  	[smem:$0x3FA5] =	sst s1  }
0xa: {  	[smem:$0x3FA6] =	sst s2  }
0xb: {  	[smem:$0x3FA7] =	sst s3  }
0xc: {  	[smem:$0x3FA8] =	sst s4  }
0xd: {  	[smem:$0x3FA9] =	sst s5  }
0xe: {  	[smem:$0x3FAA] =	sst s6  }
0xf: {  	[smem:$0x3FAB] =	sst s7  }
0x10: {  	[smem:$0x3FAC] =	sst s8  }
0x11: {  	[smem:$0x3FAD] =	sst s9;
	s0 =	simm.s32 @!p0 $0x0  }
0x12: {  	s1 =	sld [smem:$0x3F93];
	s0 =	simm.s32 @p0 $0x1  }
0x13: {  	[smem:$0x3FAE] =	sst s0;
	s0 =	simm.s32 @!p1 $0x0  }
0x14: {  	s2 =	sld [smem:$0x3F92];
	s0 =	simm.s32 @p1 $0x1  }
0x15: {  	[smem:$0x3FAF] =	sst s0;
	s0 =	simm.s32 @!p2 $0x0  }
0x16: {  	s3 =	sld [smem:$0x3FDB];
	s0 =	simm.s32 @p2 $0x1  }
0x17: {  	s4 =	simm.s32 $0x1BF5;
	[smem:$0x3FB1] =	sst s0  }
0x18: {  	s0 =	sld [smem:$0x3F94];
	_ =	swait.ge [sflag:s4], $0x0  }
0x19: {  	s7 =	sld [smem:$0x3F95]  }
0x1a: {  	s8 =	sadd.s32 $0xFFFFE003, lr  }
0x1b: {  	s9 =	sadd.s32 $0xFFFFFEF7, lr;
	s5 =	simm.s32 $0xFFFFFFFF;
	p2 =	slt.u32 s8, $0xFFFFF086  }
0x1c: {  	p1 =	slt.u32 s9, $0xF7A;
	s5 =	simm.s32 @!p2 $0x0  }
0x1d: {  	s5 =	simm.s32 @p1 $0x1;
	p0 =	seq.s32 s7, s2  }
0x1e: {  	s7 =	smul.u32 @!p0 $0xF7A, s2;
	p2 =	seq.s32 @!p0 s5, $0x0  }
0x1f: {  	s9 =	smul.u32 $0xF7A, s1;
	s8 =	simm.s32 @!p0 $0x1BF5;
	p2 =	por !p2, p0  }
0x20: {  	[sflag:s8] =	ssyncset.s32 @!p0 $0xFFFFF086;
	s6 =	sadd.s32 @!p0 s3, s7;
	s7 =	simm.s32 @!p0 $0x108  }
0x21: {  	s3 =	sadd.s32 s3, s9;
	s6 =	sadd.s32 @!p0 $0x88, s6;
	s7 =	simm.s32 @p2 $0x1082  }
0x22: {  	[simem:s7], [sflag:s8] =	dma.local @!p0 [hbm:s6], $0xF7A  }
0x23: {  	s9 =	sor.u32 $0xD0000000, s2;
	s6 =	simm.s32 $0x108;
	_ =	swait.ge @!p0 [sflag:s8], $0x0  }
0x24: {  	s3 =	sadd.s32 $0x88, s3;
	s6 =	simm.s32 @!p1 $0x1082;
	[sflag:s4] =	ssyncset.s32 $0xFFFFF086  }
0x25: {  	[simem:s6], [sflag:s4] =	dma.local [hbm:s3], $0xF7A  }
0x26: {  	[smem:$0x3F95] =	sst s1;
	(tag) =	ssettag s2;
	_ =	strace s9  }
0x27: {  	s1 =	sld [smem:$0x3FA5]  }
0x28: {  	s2 =	sld [smem:$0x3FA6]  }
0x29: {  	s4 =	sld [smem:$0x3FA8]  }
0x2a: {  	p0 =	seq.s32 s5, $0x0;
	s5 =	sld [smem:$0x3FA9]  }
0x2b: {  	s6 =	sld [smem:$0x3FAA]  }
0x2c: {  	s7 =	sld [smem:$0x3FAB]  }
0x2d: {  	s3 =	simm.s32 $0x108;
	s8 =	sld [smem:$0x3FAC]  }
0x2e: {  	s3 =	simm.s32 @!p0 $0x1082;
	s9 =	sld [smem:$0x3FAD]  }
0x2f: {  	lr =	sadd.s32 s0, s3;
	s0 =	sld [smem:$0x3FA4]  }
0x30: {  	s3 =	sld [smem:$0x3FA7]  }
0x31: {  	[smem:$0x3FB0] =	sst s10  }
0x32: {  	s10 =	sld [smem:$0x3FAE];
	_ =	sdelay $0x3  }
0x33: {  	p0 =	seq.s32 s10, $0x1;
	s10 =	sld [smem:$0x3FB0];
	_ =	sdelay $0x3  }
0x34: {  	[smem:$0x3FB0] =	sst s10  }
0x35: {  	s10 =	sld [smem:$0x3FAF];
	_ =	sdelay $0x3  }
0x36: {  	p1 =	seq.s32 s10, $0x1;
	s10 =	sld [smem:$0x3FB0];
	_ =	sdelay $0x3  }
0x37: {  	[smem:$0x3FB0] =	sst s10  }
0x38: {  	s10 =	sld [smem:$0x3FB1]  }
0x39: {  	_ = 	snop;
	(pc) =	sbr.ind lr, $3  }
0x3a: {  	_ = 	snop  }
0x3b: {  	_ = 	snop  }
0x3c: {  	p2 =	seq.s32 s10, $0x1;
	s10 =	sld [smem:$0x3FB0]  }
0x3d: {  	_ =	shalt  }
0x3e: {  	_ =	shalt  }
0x3f: {  	_ =	shalt  }
0x40: {  	_ =	shalt  }
0x41: {  	_ =	shalt  }
0x42: {  	_ =	shalt  }
0x43: {  	_ =	shalt  }
0x44: {  	_ =	shalt  }
0x45: {  	_ =	shalt  }
0x46: {  	_ =	shalt  }
0x47: {  	_ =	shalt  }
0x48: {  	_ =	shalt  }
0x49: {  	_ =	shalt  }
0x4a: {  	_ =	shalt  }
0x4b: {  	_ =	shalt  }
0x4c: {  	_ =	shalt  }
0x4d: {  	_ =	shalt  }
0x4e: {  	_ =	shalt  }
0x4f: {  	_ =	shalt  }
0x50: {  	_ =	shalt  }
0x51: {  	_ =	shalt  }
0x52: {  	_ =	shalt  }
0x53: {  	_ =	shalt  }
0x54: {  	_ =	shalt  }
0x55: {  	_ =	shalt  }
0x56: {  	_ =	shalt  }
0x57: {  	_ =	shalt  }
0x58: {  	_ =	shalt  }
0x59: {  	_ =	shalt  }
0x5a: {  	_ =	shalt  }
0x5b: {  	_ =	shalt  }
0x5c: {  	_ =	shalt  }
0x5d: {  	_ =	shalt  }
0x5e: {  	_ =	shalt  }
0x5f: {  	_ =	shalt  }
0x60: {  	_ =	shalt  }
0x61: {  	_ =	shalt  }
0x62: {  	_ =	shalt  }
0x63: {  	_ =	shalt  }
0x64: {  	_ =	shalt  }
0x65: {  	_ =	shalt  }
0x66: {  	_ =	shalt  }
0x67: {  	_ =	shalt  }
0x68: {  	_ =	shalt  }
0x69: {  	_ =	shalt  }
0x6a: {  	_ =	shalt  }
0x6b: {  	_ =	shalt  }
0x6c: {  	_ =	shalt  }
0x6d: {  	_ =	shalt  }
0x6e: {  	_ =	shalt  }
0x6f: {  	_ =	shalt  }
0x70: {  	_ =	shalt  }
0x71: {  	_ =	shalt  }
0x72: {  	_ =	shalt  }
0x73: {  	_ =	shalt  }
0x74: {  	_ =	shalt  }
0x75: {  	_ =	shalt  }
0x76: {  	_ =	shalt  }
0x77: {  	_ =	shalt  }
0x78: {  	_ =	shalt  }
0x79: {  	_ =	shalt  }
0x7a: {  	_ =	shalt  }
0x7b: {  	_ =	shalt  }
0x7c: {  	_ =	shalt  }
0x7d: {  	_ =	shalt  }
0x7e: {  	_ =	shalt  }
0x7f: {  	_ =	shalt  }
0x80: {  	_ =	shalt  }
0x81: {  	_ =	shalt  }
0x82: {  	_ =	shalt  }
0x83: {  	_ =	shalt  }
0x84: {  	_ =	shalt  }
0x85: {  	_ =	shalt  }
0x86: {  	_ =	shalt  }
0x87: {  	_ =	shalt  }
.Lfunc_end0:
.L_simem_size_0:
called_computation_lowered:
.L_overlay_start_0:
0x88: {  	s2 =	sld [smem:$0x3FD9]  }
0x89: {  	s3 =	sld [smem:$0x3FFE];
	_ =	sdelay $0x1  }
0x8a: {  	s1 =	srdreg.scid  }
0x8b: {  	s0 =	sand.u32 $0x1, s1  }
0x8c: {  	s17 =	sshll.u32 s0, $0xA;
	s2 =	sadd.s32 s3, s2  }
0x8d: {  	s2 =	sadd.s32 s2, s17  }
0x8e: {  	[smem:$0x3FBC] =	sst s2  }
0x8f: {  	_ = 	snop  }
0x90: {  	s2 =	sld [smem:$0x3FC9];
	(tm) =	ssettm $0x1  }
0x91: {  	s18 =	sld [smem:$0x3FFB];
	_ =	sdelay $0x3  }
0x92: {  	_ =	strace s18  }
0x93: {  	s3 =	sld [smem:$0x3FFC];
	_ =	sdelay $0x3  }
0x94: {  	_ =	strace s3  }
0x95: {  	s3 =	sld [smem:$0x3FFD];
	_ =	sdelay $0x3  }
0x96: {  	_ =	strace s3  }
0x97: {  	_ =	strace $0x8FFFFFFF  }
0x98: {  	s19 =	sld [smem:$0x3FDB];
	_ =	sdelay $0x1  }
0x99: {  	s4 =	simm.s32 $_scs_section_size  }
0x9a: {  	s5 =	simm.s32 $_size__tile_overlayer_lowered;
	s6 =	simm.s32 $_tile_overlayer_lowered  }
0x9b: {  	s22 =	simm.s32 $0x1BFF;
	s21 =	sshll.u32 s6, $0x1;
	s3 =	sadd.s32 s4, s19  }
0x9c: {  	s7 =	simm.s32 $0x0;
	s20 =	sshll.u32 s5, $0x1;
	s5 =	sadd.s32 s21, s3  }
0x9d: {  	[timem:s7], [sflag:s22] =	dma.local [hbm:s5], s20  }
0x9e: {  	_ =	swait.ge [sflag:s22], s20  }
0x9f: {  	s4 =	ssub.s32 $0x0, s20;
	[sflag:s22] =	ssyncset.done $0x0  }
0xa0: {  	[sflag:s22] =	ssyncadd.s32 s4;
	_ =	sdelay $0x1  }
0xa1: {  	s23 =	simm.s32 $0x1B8B  }
0xa2: {  	_ =	swait.ge [sflag:s23], $0x1  }
0xa3: {  	[sflag:s23] =	ssyncset.done $0x0  }
0xa4: {  	s25 =	simm.s32 $0x1B8E;
	s24 =	sld [smem:$0x3FFE];
	[sflag:s23] =	ssyncadd.s32 $0xFFFFFFFF  }
0xa5: {  	s26 =	simm.s32 $execute0_lowered;
	[smem:$0x3FD2] =	sst s25  }
0xa6: {  	s5 =	sshll.u32 s26, $0x1;
	_ =	strace $0x80000046;
	[dreg:$0x1] =	wrdreg $0xFFFFFFFF  }
0xa7: {  	s28 =	simm.s32 $_size_execute0_lowered;
	s3 =	sadd.s32 s3, s5;
	[dreg:$0x0] =	wrdreg $0x0  }
0xa8: {  	s5 =	sshll.u32 s28, $0x1;
	[dreg:$0x2] =	wrdreg s3  }
0xa9: {  	[dreg:$0x3] =	wrdreg s5  }
0xaa: {  	[dreg:$0x4] =	wrdreg $0xC0  }
0xab: {  	_ =	task [dreg:s7], $0x5FFFF  }
0xac: {  	[dreg:$0x1] =	wrdreg $0xFFFFFFFF  }
0xad: {  	[dreg:$0x0] =	wrdreg $0x60  }
0xae: {  	[dreg:$0x2] =	wrdreg s2  }
0xaf: {  	[dreg:$0x3] =	wrdreg s24  }
0xb0: {  	[dreg:$0x4] =	wrdreg $0x0  }
0xb1: {  	[dreg:$0x5] =	wrdreg $0x9  }
0xb2: {  	_ =	task.clear_ibuf [dreg:s7], $0x6FFFF;
	_ =	strace $0x90000046  }
0xb3: {  	s29 =	simm.s32 $0x9;
	_ =	strace $0x8000004B  }
0xb4: {  	_ =	swait.ge [sflag:s29], $0x1  }
0xb5: {  	[sflag:s29] =	ssyncadd.s32 $0xFFFFFFFF  }
0xb6: {  	_ =	strace $0x9000004B  }
0xb7: {  	_ =	sfence  }
0xb8: {  	s30 =	sld [smem:$0x0];
	_ =	sdelay $0x2  }
0xb9: {  	s31 =	sshll.u32 s1, $0xD;
	s1 =	sshrl.u32 s1, $0x2  }
0xba: {  	s3 =	sand.u32 $0x4000, s31;
	s1 =	sadd.s32 s1, s30  }
0xbb: {  	s0 =	sor.u32 s3, s0;
	s1 =	sshll.u32 s1, $0x11  }
0xbc: {  	s0 =	sor.u32 s1, s0  }
0xbd: {  	s0 =	sadd.s32 $0x8F2B, s0  }
0xbe: {  	[sflag:s0] =	ssyncadd.remote.s32 $0x1  }
0xbf: {  	_ =	sfence.sel $0xFFFF  }
0xc0: {  	[dreg:$0x0] =	wrdreg $0xFFFFFFFF;
	(pc) =	sbr.abs _section_cstart, $3  }
0xc1: {  	[dreg:$0x1] =	wrdreg $0xFFFFFFFF  }
0xc2: {  	_ =	task.clear_ibuf [dreg:s7], $0x2FFFF;
	_ =	strace $0x9FFFFFFF  }
0xc3: {  	(tm) =	ssettm $0x7FFFFFFF  }
tec
execute0_lowered:
.L_overlay_start_1:
0x0: {  	(tag) =	ssettag $0x1  }
0x1: {  	s0 =	srdreg.scid  }
0x2: {  	s16 =	stileid.u32;
	s1 =	rddreg [dreg:$0x0]  }
0x3: {  	s3 =	rddreg [dreg:$0x1];
	s30 =	simm.s32 $0x14000;
	s31 =	simm.s32 $0x5  }
0x4: {  	s0 =	sand.u32 $0x1, s0;
	s6 =	sshll.u32 s16, $0x7;
	s7 =	smul.u32 $0x14000, s16  }
0x5: {  	s8 =	sadd.s32 $0x1EA00, s3;
	s2 =	sshll.u32 s0, $0x4;
	s6 =	sand.u32 $0x380, s6  }
0x6: {  	s18 =	ssub.s32 $0x2, s0;
	s0 =	smul.u32 $0x140000, s0;
	s2 =	sor.u32 s16, s2  }
0x7: {  	s9 =	sshrl.u32 s18, $0x1;
	s10 =	sadd.s32 $0x6000, s7;
	s11 =	sadd.s32 $0x8000, s7  }
0x8: {  	s13 =	sadd.s32 $0xA000, s7;
	s14 =	sadd.s32 $0xC000, s7;
	s16 =	smul.u32 $0x50000, s16  }
0x9: {  	s24 =	sadd.s32 $0xE000, s7;
	s25 =	sadd.s32 $0x10000, s7;
	s4 =	smul.u32 $0x4E2, s2  }
0xa: {  	s5 =	sshrl.u32 s2, $0x3;
	s2 =	simm.s32 $0x0;
	s12 =	sadd.s32 s7, s0  }
0xb: {  	s22 =	sadd.s32 s0, s10;
	s26 =	sadd.s32 s0, s11;
	s5 =	smul.u32 $0x14000, s5  }
0xc: {  	s17 =	sadd.s32 s0, s13;
	[smem:$0x7FF] =	sst s2;
	s12 =	sshrl.u32 s12, $0x3  }
0xd: {  	s23 =	sshrl.u32 s22, $0x3;
	s4 =	sadd.s32 s4, s3;
	s5 =	sor.u32 s6, s5  }
0xe: {  	s12 =	sadd.s32 s8, s12;
	s6 =	sor.u32 $0x2000, s7;
	s5 =	sshrl.u32 s5, $0x3  }
0xf: {  	[dreg:$0x4] =	wrdreg s12;
	s15 =	sadd.s32 s0, s6;
	s3 =	sadd.s32 s5, s3  }
0x10: {  	s5 =	ssub.s32 s18, s9;
	s9 =	sadd.s32 $0x4000, s7;
	s7 =	sadd.s32 $0x12000, s7  }
0x11: {  	s19 =	sshrl.u32 s15, $0x3;
	s15 =	sshrl.u32 s26, $0x3;
	s18 =	sshrl.u32 s17, $0x3  }
0x12: {  	s26 =	sshrl.u32 s16, $0x2;
	s16 =	sadd.s32 $0xE00, s4;
	s20 =	sadd.s32 s0, s9  }
0x13: {  	s12 =	sadd.s32 s8, s19;
	s19 =	sadd.s32 s0, s14;
	s28 =	sadd.s32 $0x14A00, s3  }
0x14: {  	s29 =	smax.u32 s5, $0x1;
	s3 =	simm.s32 $0x1B000;
	s21 =	sshrl.u32 s20, $0x3  }
0x15: {  	[dreg:$0x5] =	wrdreg s12;
	s12 =	sadd.s32 s8, s21;
	s21 =	sadd.s32 s0, s24  }
0x16: {  	[dreg:$0x6] =	wrdreg s12;
	s12 =	sadd.s32 s8, s23;
	s23 =	sadd.s32 s0, s25  }
0x17: {  	s0 =	sadd.s32 s0, s7;
	[dreg:$0x7] =	wrdreg s12;
	s12 =	sadd.s32 s8, s15  }
0x18: {  	s15 =	sshrl.u32 s23, $0x3;
	[dreg:$0x8] =	wrdreg s12;
	s12 =	sadd.s32 s8, s18  }
0x19: {  	s0 =	sshrl.u32 s0, $0x3;
	s15 =	sadd.s32 s8, s15;
	[dreg:$0x9] =	wrdreg s12  }
0x1a: {  	s20 =	sshrl.u32 s19, $0x3;
	s0 =	sadd.s32 s8, s0;
	[dreg:$0xc] =	wrdreg s15  }
0x1b: {  	s22 =	sshrl.u32 s21, $0x3;
	s12 =	sadd.s32 s8, s20;
	[dreg:$0xd] =	wrdreg s0  }
0x1c: {  	s5 =	simm.s32 $0x1D000;
	[dreg:$0xa] =	wrdreg s12;
	s12 =	sadd.s32 s8, s22  }
0x1d: {  	s15 =	sadd.s32 $0xAC00, s4;
	s0 =	simm.s32 $0x19000;
	[dreg:$0xb] =	wrdreg s12  }
0x1e: {  	s4 =	simm.s32 $0x1;
	s8 =	simm.s32 $0x4;
	s12 =	rddreg [dreg:$0x2]  }
0x1f: {  	_ =	strace $0x80000047;
	s17 =	sadd.s32 s26, s12;
	s18 =	sadd.s32 s6, s12  }
0x20: {  	s19 =	sadd.s32 s9, s12;
	s20 =	sadd.s32 s10, s12;
	s21 =	sadd.s32 s11, s12  }
0x21: {  	s22 =	sadd.s32 s13, s12;
	s23 =	sadd.s32 s14, s12;
	s24 =	sadd.s32 s24, s12  }
0x22: {  	v0 =	vlaneseq.u32;
	s25 =	sadd.s32 s25, s12;
	s26 =	sadd.s32 s7, s12;
	s11 =	simm.s32 $0x40  }
0x23: {  	v2 =	vimm.f32 $0.0e+00;
	v3 =	vimm.f32 $1.000000000e+00;
	v1 =	vor.u32 $0x2710, v0;
	s6 =	simm.s32 $0x3;
	s7 =	simm.s32 $0x2;
	s9 =	simm.s32 $0x0  }
.LBB2_1:
0x24: {  	_ =	strace $0x80000048  }
0x25: {  	[tilespmem:s30], [sflag:$0x5] =	stream.linear.gather [hbm4b:s15+s2], $0x2710, $0x200038;
	[tilespmem:$0x1F800] =	vst v63  }
0x26: {  	_ =	swait.ge [sflag:s31], $0x2710  }
0x27: {  	[sflag:s31] =	ssyncset.done $0x0  }
0x28: {  	s10 =	simm.s32 $0x16800;
	[sflag:s31] =	ssyncadd.s32 $0xFFFFD8F0  }
0x29: {  	[tilespmem:s10], [sflag:$0x5] =	stream.linear.gather [hbm4b:s16+s2], $0x2710, $0x200038;
	[tilespmem:$0x1F800] =	vst v63  }
0x2a: {  	_ =	swait.ge [sflag:s31], $0x2710  }
0x2b: {  	[sflag:s31] =	ssyncset.done $0x0  }
0x2c: {  	v4 =	vor.u32 s2, v0;
	s10 =	simm.s32 $0x16710;
	[sflag:s31] =	ssyncadd.s32 $0xFFFFD8F0  }
0x2d: {  	s13 =	simm.s32 $0x18F10;
	[tilespmem:s10+$0x0] =	vst v4;
	v4 =	vadd.s32 s2, v1  }
0x2e: {  	s14 =	simm.s32 $0x10;
	[tilespmem:s13+$0x0] =	vst v4  }
.LBB2_2:
0x2f: {  	p0 =	sne.s32 s14, $0xE0  }
.Ltmp0:
0x30: {  	_ = 	snop;
	(pc) =	sbr.rel @p0 .LBB2_2-.Ltmp0, $4  }
0x31: {  	_ = 	snop  }
0x32: {  	v4 =	vor.u32 s14, v0;
	s10 =	sadd.s32 $0x10, s10  }
0x33: {  	s13 =	sadd.s32 $0x10, s13;
	[tilespmem:s10+$0x0] =	vst v4;
	v4 =	vadd.s32 s14, v1;
	s14 =	sadd.s32 $0x10, s14  }
0x34: {  	[tilespmem:s13+$0x0] =	vst v4  }
0x35: {  	s10 =	simm.s32 $0x40;
	s13 =	simm.s32 $0x0  }
.LBB2_4:
0x36: {  	p0 =	sne.s32 s10, $0x9FC0;
	[tilespmem:s13+$0x1D000] =	vst v2;
	s13 =	smov.u32 s10;
	s10 =	sadd.s32 $0x40, s10  }
.Ltmp1:
0x37: {  	(pc) =	sbr.rel @p0 .LBB2_4-.Ltmp1, $2  }
0x38: {  	_ =	sdelay $0x2  }
0x39: {  	s13 =	sshra.s32 s13, $0x2  }
0x3a: {  	[tilespmem:s13+$0x1D000] =	vst v2;
	s10 =	simm.s32 $0x0;
	s13 =	simm.s32 $0x200  }
.LBB2_6:
0x3b: {  	p0 =	sne.s32 s13, $0x7E00;
	[tilespmem:s10+$0x19070] =	vst v2  }
0x3c: {  	[tilespmem:s10+$0x19000] =	vst v2  }
0x3d: {  	[tilespmem:s10+$0x19010] =	vst v2  }
.Ltmp2:
0x3e: {  	[tilespmem:s10+$0x19020] =	vst v2;
	(pc) =	sbr.rel @p0 .LBB2_6-.Ltmp2, $4  }
0x3f: {  	[tilespmem:s10+$0x19030] =	vst v2  }
0x40: {  	[tilespmem:s10+$0x19040] =	vst v2  }
0x41: {  	[tilespmem:s10+$0x19050] =	vst v2  }
0x42: {  	[tilespmem:s10+$0x19060] =	vst v2;
	s10 =	sshra.s32 s13, $0x2;
	s13 =	sadd.s32 $0x200, s13  }
0x43: {  	[tilespmem:s10+$0x19070] =	vst v2  }
0x44: {  	[tilespmem:s10+$0x19000] =	vst v2  }
0x45: {  	[tilespmem:s10+$0x19010] =	vst v2  }
0x46: {  	[tilespmem:s10+$0x19020] =	vst v2  }
0x47: {  	[tilespmem:s10+$0x19030] =	vst v2  }
0x48: {  	[tilespmem:s10+$0x19040] =	vst v2  }
0x49: {  	[tilespmem:s10+$0x19050] =	vst v2  }
0x4a: {  	[tilespmem:s10+$0x19060] =	vst v2  }
0x4b: {  	[spmem:s17] =	stream.linear.scatter [tilespmem:s0], [sflag:$0x5], $0x2000, $0x200038;
	[tilespmem:$0x1F800] =	vst v63  }
0x4c: {  	_ =	swait.ge [sflag:s31], $0x2000  }
0x4d: {  	[sflag:s31] =	ssyncset.done $0x0  }
0x4e: {  	[sflag:s31] =	ssyncadd.s32 $0xFFFFE000  }
0x4f: {  	[spmem:s18] =	stream.linear.scatter [tilespmem:s0], [sflag:$0x5], $0x2000, $0x200038;
	[tilespmem:$0x1F800] =	vst v63  }
0x50: {  	_ =	swait.ge [sflag:s31], $0x2000  }
0x51: {  	[sflag:s31] =	ssyncset.done $0x0  }
0x52: {  	[sflag:s31] =	ssyncadd.s32 $0xFFFFE000  }
0x53: {  	[spmem:s19] =	stream.linear.scatter [tilespmem:s0], [sflag:$0x5], $0x2000, $0x200038;
	[tilespmem:$0x1F800] =	vst v63  }
0x54: {  	_ =	swait.ge [sflag:s31], $0x2000  }
0x55: {  	[sflag:s31] =	ssyncset.done $0x0  }
0x56: {  	[sflag:s31] =	ssyncadd.s32 $0xFFFFE000  }
0x57: {  	[spmem:s20] =	stream.linear.scatter [tilespmem:s0], [sflag:$0x5], $0x2000, $0x200038;
	[tilespmem:$0x1F800] =	vst v63  }
0x58: {  	_ =	swait.ge [sflag:s31], $0x2000  }
0x59: {  	[sflag:s31] =	ssyncset.done $0x0  }
0x5a: {  	[sflag:s31] =	ssyncadd.s32 $0xFFFFE000  }
0x5b: {  	[spmem:s21] =	stream.linear.scatter [tilespmem:s0], [sflag:$0x5], $0x2000, $0x200038;
	[tilespmem:$0x1F800] =	vst v63  }
0x5c: {  	_ =	swait.ge [sflag:s31], $0x2000  }
0x5d: {  	[sflag:s31] =	ssyncset.done $0x0  }
0x5e: {  	[sflag:s31] =	ssyncadd.s32 $0xFFFFE000  }
0x5f: {  	[spmem:s22] =	stream.linear.scatter [tilespmem:s0], [sflag:$0x5], $0x2000, $0x200038;
	[tilespmem:$0x1F800] =	vst v63  }
0x60: {  	_ =	swait.ge [sflag:s31], $0x2000  }
0x61: {  	[sflag:s31] =	ssyncset.done $0x0  }
0x62: {  	[sflag:s31] =	ssyncadd.s32 $0xFFFFE000  }
0x63: {  	[spmem:s23] =	stream.linear.scatter [tilespmem:s0], [sflag:$0x5], $0x2000, $0x200038;
	[tilespmem:$0x1F800] =	vst v63  }
0x64: {  	_ =	swait.ge [sflag:s31], $0x2000  }
0x65: {  	[sflag:s31] =	ssyncset.done $0x0  }
0x66: {  	[sflag:s31] =	ssyncadd.s32 $0xFFFFE000  }
0x67: {  	[spmem:s24] =	stream.linear.scatter [tilespmem:s0], [sflag:$0x5], $0x2000, $0x200038;
	[tilespmem:$0x1F800] =	vst v63  }
0x68: {  	_ =	swait.ge [sflag:s31], $0x2000  }
0x69: {  	[sflag:s31] =	ssyncset.done $0x0  }
0x6a: {  	[sflag:s31] =	ssyncadd.s32 $0xFFFFE000  }
0x6b: {  	[spmem:s25] =	stream.linear.scatter [tilespmem:s0], [sflag:$0x5], $0x2000, $0x200038;
	[tilespmem:$0x1F800] =	vst v63  }
0x6c: {  	_ =	swait.ge [sflag:s31], $0x2000  }
0x6d: {  	[sflag:s31] =	ssyncset.done $0x0  }
0x6e: {  	[sflag:s31] =	ssyncadd.s32 $0xFFFFE000  }
0x6f: {  	[spmem:s26] =	stream.linear.scatter [tilespmem:s0], [sflag:$0x5], $0x2000, $0x200038;
	[tilespmem:$0x1F800] =	vst v63  }
0x70: {  	_ =	swait.ge [sflag:s31], $0x2000  }
0x71: {  	[sflag:s31] =	ssyncset.done $0x0  }
0x72: {  	[sflag:s31] =	ssyncadd.s32 $0xFFFFE000  }
0x73: {  	[bflag:$0x0] =	sbarrier.arrive $0xFFFF  }
0x74: {  	_ =	strace $0x90000048  }
0x75: {  	[tilespmem:s0], [sflag:$0x1] =	stream.indirect.gather [hbm4b:s1+s11], $0x80, s30, s11, $0xb8;
	[tilespmem:$0x1F800] =	vst v63  }
0x76: {  	s14 =	simm.s32 $0x14040  }
0x77: {  	[tilespmem:s3], [sflag:$0x2] =	stream.indirect.gather [hbm4b:s1+s11], $0x80, s14, s11, $0xb8;
	[tilespmem:$0x1F800] =	vst v63  }
0x78: {  	s10 =	simm.s32 $0x0;
	_ =	strace $0x80000049  }
.LBB2_8:
0x79: {  	_ =	swait.ge [sflag:s4], $0x2000  }
0x7a: {  	s13 =	sshra.s32 s10, $0x2;
	[sflag:s4] =	ssyncset.done $0x0  }
0x7b: {  	s14 =	sadd.s32 $0x16800, s13;
	[sflag:s4] =	ssyncadd.s32 $0xFFFFE000  }
0x7c: {  	[spmem:s12] =	stream.indirect.scatter.add.f32 [tilespmem:s0], [sflag:$0x3], $0x80, s14, s11, $0x2000b8;
	[tilespmem:$0x1F800] =	vst v63  }
0x7d: {  	v4 =	vld [tilespmem:s13+$0x16800];
	_ =	sdelay $0x7  }
0x7e: {  	[tilespmem:v4+s5+$0x0] =	vst.idx.add.f32.msk $0xffff, v3  }
0x7f: {  	v4 =	vld [tilespmem:s13+$0x16810];
	_ =	sdelay $0x7  }
0x80: {  	[tilespmem:v4+s5+$0x0] =	vst.idx.add.f32.msk $0xffff, v3  }
0x81: {  	v4 =	vld [tilespmem:s13+$0x16820];
	_ =	sdelay $0x7  }
0x82: {  	[tilespmem:v4+s5+$0x0] =	vst.idx.add.f32.msk $0xffff, v3  }
0x83: {  	v4 =	vld [tilespmem:s13+$0x16830];
	_ =	sdelay $0x7  }
0x84: {  	[tilespmem:v4+s5+$0x0] =	vst.idx.add.f32.msk $0xffff, v3  }
0x85: {  	_ =	swait.ge [sflag:s6], $0x2000  }
0x86: {  	[sflag:s6] =	ssyncset.done $0x0  }
0x87: {  	s14 =	sadd.s32 $0x14080, s13;
	[sflag:s6] =	ssyncadd.s32 $0xFFFFE000  }
0x88: {  	[tilespmem:s0], [sflag:$0x1] =	stream.indirect.gather [hbm4b:s1+s11], $0x80, s14, s11, $0x2000b8;
	[tilespmem:$0x1F800] =	vst v63  }
0x89: {  	_ =	swait.ge [sflag:s7], $0x2000  }
0x8a: {  	[sflag:s7] =	ssyncset.done $0x0  }
0x8b: {  	s14 =	sadd.s32 $0x16840, s13;
	[sflag:s7] =	ssyncadd.s32 $0xFFFFE000  }
0x8c: {  	[spmem:s12] =	stream.indirect.scatter.add.f32 [tilespmem:s3], [sflag:$0x4], $0x80, s14, s11, $0x2000b8;
	[tilespmem:$0x1F800] =	vst v63  }
0x8d: {  	v4 =	vld [tilespmem:s13+$0x16840];
	_ =	sdelay $0x7  }
0x8e: {  	[tilespmem:v4+s5+$0x0] =	vst.idx.add.f32.msk $0xffff, v3  }
0x8f: {  	v4 =	vld [tilespmem:s13+$0x16850];
	_ =	sdelay $0x7  }
0x90: {  	[tilespmem:v4+s5+$0x0] =	vst.idx.add.f32.msk $0xffff, v3  }
0x91: {  	v4 =	vld [tilespmem:s13+$0x16860];
	_ =	sdelay $0x7  }
0x92: {  	[tilespmem:v4+s5+$0x0] =	vst.idx.add.f32.msk $0xffff, v3  }
0x93: {  	v4 =	vld [tilespmem:s13+$0x16870];
	_ =	sdelay $0x6  }
0x94: {  	p0 =	sne.s32 s10, $0x9C00  }
.Ltmp3:
0x95: {  	[tilespmem:v4+s5+$0x0] =	vst.idx.add.f32.msk $0xffff, v3;
	(pc) =	sbr.rel @p0 .LBB2_8-.Ltmp3, $4  }
0x96: {  	_ =	swait.ge [sflag:s8], $0x2000  }
0x97: {  	[sflag:s8] =	ssyncset.done $0x0  }
0x98: {  	s10 =	sadd.s32 $0x200, s10;
	s13 =	sadd.s32 $0x140C0, s13;
	[sflag:s8] =	ssyncadd.s32 $0xFFFFE000  }
0x99: {  	[tilespmem:s3], [sflag:$0x2] =	stream.indirect.gather [hbm4b:s1+s11], $0x80, s13, s11, $0x2000b8;
	[tilespmem:$0x1F800] =	vst v63  }
0x9a: {  	_ =	swait.ge [sflag:s4], $0x2000  }
0x9b: {  	[sflag:s4] =	ssyncset.done $0x0  }
0x9c: {  	s10 =	simm.s32 $0x18F80;
	[sflag:s4] =	ssyncadd.s32 $0xFFFFE000  }
0x9d: {  	[spmem:s12] =	stream.indirect.scatter.add.f32 [tilespmem:s0], [sflag:$0x3], $0x80, s10, s11, $0x2000b8;
	[tilespmem:$0x1F800] =	vst v63  }
0x9e: {  	v4 =	vld [tilespmem:$0x18F80];
	_ =	sdelay $0x7  }
0x9f: {  	[tilespmem:v4+s5+$0x0] =	vst.idx.add.f32.msk $0xffff, v3  }
0xa0: {  	v4 =	vld [tilespmem:$0x18F90];
	_ =	sdelay $0x7  }
0xa1: {  	[tilespmem:v4+s5+$0x0] =	vst.idx.add.f32.msk $0xffff, v3  }
0xa2: {  	v4 =	vld [tilespmem:$0x18FA0];
	_ =	sdelay $0x7  }
0xa3: {  	[tilespmem:v4+s5+$0x0] =	vst.idx.add.f32.msk $0xffff, v3  }
0xa4: {  	v4 =	vld [tilespmem:$0x18FB0];
	_ =	sdelay $0x7  }
0xa5: {  	[tilespmem:v4+s5+$0x0] =	vst.idx.add.f32.msk $0xffff, v3  }
0xa6: {  	_ =	swait.ge [sflag:s6], $0x2000  }
0xa7: {  	[sflag:s6] =	ssyncset.done $0x0  }
0xa8: {  	[sflag:s6] =	ssyncadd.s32 $0xFFFFE000  }
0xa9: {  	_ =	swait.ge [sflag:s7], $0x2000  }
0xaa: {  	[sflag:s7] =	ssyncset.done $0x0  }
0xab: {  	s13 =	simm.s32 $0x18FC0;
	[sflag:s7] =	ssyncadd.s32 $0xFFFFE000  }
0xac: {  	[spmem:s12] =	stream.indirect.scatter.add.f32 [tilespmem:s3], [sflag:$0x4], $0x80, s13, s11, $0x2000b8;
	[tilespmem:$0x1F800] =	vst v63  }
0xad: {  	v4 =	vld [tilespmem:$0x18FC0];
	_ =	sdelay $0x7  }
0xae: {  	[tilespmem:v4+s5+$0x0] =	vst.idx.add.f32.msk $0xffff, v3  }
0xaf: {  	v4 =	vld [tilespmem:$0x18FD0];
	_ =	sdelay $0x7  }
0xb0: {  	[tilespmem:v4+s5+$0x0] =	vst.idx.add.f32.msk $0xffff, v3  }
0xb1: {  	v4 =	vld [tilespmem:$0x18FE0];
	_ =	sdelay $0x7  }
0xb2: {  	[tilespmem:v4+s5+$0x0] =	vst.idx.add.f32.msk $0xffff, v3  }
0xb3: {  	v4 =	vld [tilespmem:$0x18FF0];
	_ =	sdelay $0x7  }
0xb4: {  	[tilespmem:v4+s5+$0x0] =	vst.idx.add.f32.msk $0xffff, v3  }
0xb5: {  	_ =	swait.ge [sflag:s8], $0x2000  }
0xb6: {  	[sflag:s8] =	ssyncset.done $0x0  }
0xb7: {  	[sflag:s8] =	ssyncadd.s32 $0xFFFFE000  }
0xb8: {  	[bflag:$0x0] =	sbarrier.arrive $0xFFFF  }
0xb9: {  	s14 =	stileid.u32;
	_ =	strace $0x90000049  }
0xba: {  	s10 =	sshll.u32 s14, $0x6;
	_ =	strace $0x8000004A  }
0xbb: {  	s10 =	sor.u32 $0x1C05, s10;
	s13 =	sshrl.u32 s17, $0x3;
	s14 =	rddreg [dreg:$0x4]  }
0xbc: {  	[hbm:s14], [sflag:s10] =	dma.local [spmem:s13], $0x400  }
0xbd: {  	_ =	swait.ge [sflag:s31], $0x400  }
0xbe: {  	[sflag:s31] =	ssyncset.done $0x0  }
0xbf: {  	s13 =	sshrl.u32 s18, $0x3;
	s14 =	rddreg [dreg:$0x5];
	[sflag:s31] =	ssyncadd.s32 $0xFFFFFC00  }
0xc0: {  	[hbm:s14], [sflag:s10] =	dma.local [spmem:s13], $0x400  }
0xc1: {  	_ =	swait.ge [sflag:s31], $0x400  }
0xc2: {  	[sflag:s31] =	ssyncset.done $0x0  }
0xc3: {  	s13 =	sshrl.u32 s19, $0x3;
	s14 =	rddreg [dreg:$0x6];
	[sflag:s31] =	ssyncadd.s32 $0xFFFFFC00  }
0xc4: {  	[hbm:s14], [sflag:s10] =	dma.local [spmem:s13], $0x400  }
0xc5: {  	_ =	swait.ge [sflag:s31], $0x400  }
0xc6: {  	[sflag:s31] =	ssyncset.done $0x0  }
0xc7: {  	s13 =	sshrl.u32 s20, $0x3;
	s14 =	rddreg [dreg:$0x7];
	[sflag:s31] =	ssyncadd.s32 $0xFFFFFC00  }
0xc8: {  	[hbm:s14], [sflag:s10] =	dma.local [spmem:s13], $0x400  }
0xc9: {  	_ =	swait.ge [sflag:s31], $0x400  }
0xca: {  	[sflag:s31] =	ssyncset.done $0x0  }
0xcb: {  	s13 =	sshrl.u32 s21, $0x3;
	s14 =	rddreg [dreg:$0x8];
	[sflag:s31] =	ssyncadd.s32 $0xFFFFFC00  }
0xcc: {  	[hbm:s14], [sflag:s10] =	dma.local [spmem:s13], $0x400  }
0xcd: {  	_ =	swait.ge [sflag:s31], $0x400  }
0xce: {  	[sflag:s31] =	ssyncset.done $0x0  }
0xcf: {  	s13 =	sshrl.u32 s22, $0x3;
	s14 =	rddreg [dreg:$0x9];
	[sflag:s31] =	ssyncadd.s32 $0xFFFFFC00  }
0xd0: {  	[hbm:s14], [sflag:s10] =	dma.local [spmem:s13], $0x400  }
0xd1: {  	_ =	swait.ge [sflag:s31], $0x400  }
0xd2: {  	[sflag:s31] =	ssyncset.done $0x0  }
0xd3: {  	s13 =	sshrl.u32 s23, $0x3;
	s14 =	rddreg [dreg:$0xa];
	[sflag:s31] =	ssyncadd.s32 $0xFFFFFC00  }
0xd4: {  	[hbm:s14], [sflag:s10] =	dma.local [spmem:s13], $0x400  }
0xd5: {  	_ =	swait.ge [sflag:s31], $0x400  }
0xd6: {  	[sflag:s31] =	ssyncset.done $0x0  }
0xd7: {  	s13 =	sshrl.u32 s24, $0x3;
	s14 =	rddreg [dreg:$0xb];
	[sflag:s31] =	ssyncadd.s32 $0xFFFFFC00  }
0xd8: {  	[hbm:s14], [sflag:s10] =	dma.local [spmem:s13], $0x400  }
0xd9: {  	_ =	swait.ge [sflag:s31], $0x400  }
0xda: {  	[sflag:s31] =	ssyncset.done $0x0  }
0xdb: {  	s13 =	sshrl.u32 s25, $0x3;
	s14 =	rddreg [dreg:$0xc];
	[sflag:s31] =	ssyncadd.s32 $0xFFFFFC00  }
0xdc: {  	[hbm:s14], [sflag:s10] =	dma.local [spmem:s13], $0x400  }
0xdd: {  	_ =	swait.ge [sflag:s31], $0x400  }
0xde: {  	[sflag:s31] =	ssyncset.done $0x0  }
0xdf: {  	s13 =	sshrl.u32 s26, $0x3;
	s14 =	rddreg [dreg:$0xd];
	[sflag:s31] =	ssyncadd.s32 $0xFFFFFC00  }
0xe0: {  	[hbm:s14], [sflag:s10] =	dma.local [spmem:s13], $0x400  }
0xe1: {  	s9 =	sadd.s32 $0x1, s9;
	_ =	swait.ge [sflag:s31], $0x400  }
0xe2: {  	p0 =	sne.s32 s9, s29;
	[sflag:s31] =	ssyncset.done $0x0  }
0xe3: {  	s13 =	simm.s32 $0x80;
	s14 =	simm.s32 $0x400;
	[sflag:s31] =	ssyncadd.s32 $0xFFFFFC00  }
0xe4: {  	[hbm4b:s28+s13] =	stream.strided.scatter [tilespmem:s5], [sflag:$0x5], $0x2800, s14, s13, $0x200038;
	[tilespmem:$0x1F800] =	vst v63  }
.Ltmp4:
0xe5: {  	_ = 	snop;
	(pc) =	sbr.rel @p0 .LBB2_1-.Ltmp4, $4  }
0xe6: {  	_ =	swait.ge [sflag:s31], $0x2800  }
0xe7: {  	[sflag:s31] =	ssyncset.done $0x0  }
0xe8: {  	[sflag:s31] =	ssyncadd.s32 $0xFFFFD800  }
0xe9: {  	_ =	strace $0x9000004A  }
0xea: {  	_ =	sfence.sel $0x180000  }
0xeb: {  	[bflag:$0x0] =	sbarrier.arrive $0xFFFF  }
0xec: {  	_ =	strace $0x90000047  }
0xed: {  	s0 =	stileid.u32;
	[bflag:$0x2] =	sbarrier.arrive $0xFFFF  }
0xee: {  	p0 =	sne.s32 s0, $0x0;
	s0 =	rddreg [dreg:$0x3]  }
0xef: {  	s0 =	sadd.s32 @!p0 $0x100000, s0  }
0xf0: {  	[sflag:s0] =	ssyncadd.tile.s32 @!p0 $0x1;
	_ =	shalt  }
.Lfunc_end2:
_tile_overlayer_lowered:
.L_overlay_start_2:
0xf1: {  	(tag) =	ssettag $0x2  }
0xf2: {  	s0 =	rddreg [dreg:$0x0];
	s2 =	stileid.u32  }
0xf3: {  	s1 =	rddreg [dreg:$0x1];
	p0 =	sne.s32 s2, $0x0  }
0xf4: {  	s3 =	rddreg [dreg:$0x2];
	[bflag:$0x3] =	sbarrier.arrive $0xFFFF;
	s2 =	simm.s32 @!p0 $0x1C05  }
0xf5: {  	[timem:s3], [sflag:s2] =	dma.local @!p0 [hbm:s0], s1  }
0xf6: {  	s0 =	simm.s32 @!p0 $0x5  }
0xf7: {  	_ =	swait.ge @!p0 [sflag:s0], s1  }
0xf8: {  	s1 =	ssub.s32 @!p0 $0x0, s1;
	[sflag:s0] =	ssyncset.done @!p0 $0x0  }
0xf9: {  	[sflag:s0] =	ssyncadd.s32 @!p0 s1  }
0xfa: {  	[bflag:$0x3] =	sbarrier.arrive $0xFFFF  }
0xfb: {  	_ =	shalt  }

</sc_bundles>
